<compile_context>
chip_gen: v7x
topology: tpu7x:2x2x1
jax: 0.10.2.dev20260603
libtpu: 0.0.44.dev20260713+nightly
codegen_flags: <defaults>
</compile_context>

<pallas_src>
import functools

import jax
import jax.numpy as jnp
from jax import lax
from jax.experimental import pallas as pl
from jax.experimental.pallas import tpu as pltpu
from jax.experimental.pallas import tpu_sc as plsc

N = 8192
K_SC = 2048
N_TC = N - K_SC
BM = 1024
NW = 32
RPW = K_SC // NW
CHUNKS = N // 16
RU = 4


def _round_bf16(x):
    u = jax.lax.bitcast_convert_type(x, jnp.uint32)
    u = (u + jnp.uint32(0x7FFF) + ((u >> 16) & jnp.uint32(1))) & jnp.uint32(0xFFFF0000)
    return jax.lax.bitcast_convert_type(u, jnp.float32)


def _split3(x):
    mask = jnp.uint32(0xFFFF0000)

    def trunc(v):
        return jax.lax.bitcast_convert_type(
            jax.lax.bitcast_convert_type(v, jnp.uint32) & mask, jnp.float32)

    m1 = trunc(x)
    r1 = x - m1
    m2 = trunc(r1)
    r2 = r1 - m2
    m3 = trunc(r2)
    return m1, m2, m3



def _tc_body(a_ref, b_ref, colmin_ref, rowsum_ref):
    i = pl.program_id(0)

    @pl.when(i == 0)
    def _init():
        colmin_ref[...] = jnp.full((1, N), jnp.inf, dtype=jnp.float32)
        rowsum_ref[0, 0] = 0.0

    W = jax.lax.dot_general(
        a_ref[...], b_ref[...],
        dimension_numbers=(((1,), (0,)), ((), ())),
        preferred_element_type=jnp.float32,
    )

    rmin = jnp.min(W, axis=1, keepdims=True)
    rowsum_ref[0, 0] += jnp.sum(jnp.maximum(rmin, 0.0))
    colmin_ref[...] = jnp.minimum(colmin_ref[...], jnp.min(W, axis=0, keepdims=True))



def _sc_body(xt0_hbm, xt1_hbm, nt_hbm, c0_hbm, c1_hbm, nc_hbm,
             colpart_hbm, rowpart_hbm,
             xt0v, xt1v, ntv, c0v, c1v, ncv, colvec, rowvals):
    wid = lax.axis_index("s") * 2 + lax.axis_index("c")
    base = wid * RPW

    pltpu.sync_copy(xt0_hbm, xt0v)
    pltpu.sync_copy(xt1_hbm, xt1v)
    pltpu.sync_copy(nt_hbm, ntv)
    pltpu.sync_copy(c0_hbm.at[pl.ds(base * 16, RPW * 16)], c0v)
    pltpu.sync_copy(c1_hbm.at[pl.ds(base * 16, RPW * 16)], c1v)
    pltpu.sync_copy(nc_hbm.at[pl.ds(base * 16, RPW * 16)], ncv)

    inf16 = jnp.full((16,), jnp.inf, dtype=jnp.float32)

    def init_loop(k, carry):
        colvec[pl.ds(k * 16, 16)] = inf16
        return carry

    lax.fori_loop(0, CHUNKS, init_loop, 0, unroll=4)

    def row_block(rb, carry):
        r0 = rb * RU
        c0s = [c0v[pl.ds((r0 + q) * 16, 16)] for q in range(RU)]
        c1s = [c1v[pl.ds((r0 + q) * 16, 16)] for q in range(RU)]
        ncs = [ncv[pl.ds((r0 + q) * 16, 16)] for q in range(RU)]

        def chunk_loop(k, raccs):
            sl = pl.ds(k * 16, 16)
            x0 = xt0v[sl]
            x1 = xt1v[sl]
            nt16 = ntv[sl]
            cv = colvec[sl]
            out = []
            for q in range(RU):
                T = c0s[q] * x0 + c1s[q] * x1 + nt16
                out.append(jnp.minimum(raccs[q], T))
                cv = jnp.minimum(cv, T + ncs[q])
            colvec[sl] = cv
            return tuple(out)

        raccs = lax.fori_loop(0, CHUNKS, chunk_loop,
                              tuple(inf16 for _ in range(RU)), unroll=2)
        for q in range(RU):
            rowvals[pl.ds((r0 + q) * 16, 16)] = ncs[q] + raccs[q]
        return carry

    lax.fori_loop(0, RPW // RU, row_block, 0)

    pltpu.sync_copy(colvec, colpart_hbm.at[wid])
    pltpu.sync_copy(rowvals, rowpart_hbm.at[wid])



def _combine_body(colpart_ref, tccol_ref, rowpart_ref, tcrowsum_ref, out_ref):
    cmin = jnp.minimum(jnp.min(colpart_ref[...], axis=0, keepdims=True),
                       tccol_ref[...])
    colsum = jnp.sum(jnp.maximum(cmin, 0.0))
    rmins = jnp.min(rowpart_ref[...], axis=1)
    rowsum = tcrowsum_ref[0, 0] + jnp.sum(jnp.maximum(rmins, 0.0))
    out_ref[0, 0] = (rowsum + colsum) / N


def kernel(Xc, Xt):
    xc0 = Xc[:, 0]
    xc1 = Xc[:, 1]
    xt0 = Xt[:, 0]
    xt1 = Xt[:, 1]
    nc = xc0 * xc0 + xc1 * xc1
    nt = xt0 * xt0 + xt1 * xt1

    a01 = (-2.0 * Xc[:N_TC]).astype(jnp.bfloat16)
    n1, n2, n3 = _split3(nc[:N_TC])
    A = jnp.concatenate([
        a01,
        n1.astype(jnp.bfloat16).reshape(N_TC, 1),
        n2.astype(jnp.bfloat16).reshape(N_TC, 1),
        n3.astype(jnp.bfloat16).reshape(N_TC, 1),
        jnp.ones((N_TC, 3), dtype=jnp.bfloat16),
    ], axis=1)
    m1, m2, m3 = _split3(nt)
    B = jnp.concatenate([
        xt0.astype(jnp.bfloat16).reshape(1, N),
        xt1.astype(jnp.bfloat16).reshape(1, N),
        jnp.ones((3, N), dtype=jnp.bfloat16),
        m1.astype(jnp.bfloat16).reshape(1, N),
        m2.astype(jnp.bfloat16).reshape(1, N),
        m3.astype(jnp.bfloat16).reshape(1, N),
    ], axis=0)

    def splat16(v):
        return jnp.broadcast_to(v[:, None], (K_SC, 16)).reshape(K_SC * 16)

    sc_c0 = splat16(-2.0 * _round_bf16(xc0[N_TC:]))
    sc_c1 = splat16(-2.0 * _round_bf16(xc1[N_TC:]))
    sc_nc = splat16(nc[N_TC:])
    sc_xt0 = _round_bf16(xt0)
    sc_xt1 = _round_bf16(xt1)

    sc_call = functools.partial(
        pl.kernel,
        mesh=plsc.VectorSubcoreMesh(core_axis_name="c", subcore_axis_name="s"),
        out_type=[
            jax.ShapeDtypeStruct((NW, N), jnp.float32),
            jax.ShapeDtypeStruct((NW, RPW * 16), jnp.float32),
        ],
        scratch_types=[
            pltpu.VMEM((N,), jnp.float32),
            pltpu.VMEM((N,), jnp.float32),
            pltpu.VMEM((N,), jnp.float32),
            pltpu.VMEM((RPW * 16,), jnp.float32),
            pltpu.VMEM((RPW * 16,), jnp.float32),
            pltpu.VMEM((RPW * 16,), jnp.float32),
            pltpu.VMEM((N,), jnp.float32),
            pltpu.VMEM((RPW * 16,), jnp.float32),
        ],
    )
    colpart, rowpart = sc_call(_sc_body)(sc_xt0, sc_xt1, nt, sc_c0, sc_c1, sc_nc)

    tccol, tcrowsum = pl.pallas_call(
        _tc_body,
        grid=(N_TC // BM,),
        in_specs=[
            pl.BlockSpec((BM, 8), lambda i: (i, 0)),
            pl.BlockSpec((8, N), lambda i: (0, 0)),
        ],
        out_specs=[
            pl.BlockSpec((1, N), lambda i: (0, 0)),
            pl.BlockSpec((1, 1), lambda i: (0, 0), memory_space=pltpu.SMEM),
        ],
        out_shape=[
            jax.ShapeDtypeStruct((1, N), jnp.float32),
            jax.ShapeDtypeStruct((1, 1), jnp.float32),
        ],
    )(A, B)

    out = pl.pallas_call(
        _combine_body,
        out_specs=pl.BlockSpec(memory_space=pltpu.SMEM),
        out_shape=jax.ShapeDtypeStruct((1, 1), jnp.float32),
    )(colpart, tccol, rowpart.reshape(K_SC, 16), tcrowsum)
    return out[0, 0]

# --- scband reference (transcript-rebuilt; emitter-appended) ---
"""Pipeline reference for scband-chamfer-loss-24309514895953 (READ-ONLY COPY).

The authoritative reference and input builder live on the scoring server;
editing this copy changes nothing except your own understanding.
"""

import jax, jax.numpy as jnp
import numpy as np


def setup_inputs(seed: int = 0) -> dict:
    key = jax.random.key(seed)
    k1, k2 = jax.random.split(key)
    Xc = jax.random.normal(k1, (8192, 2), dtype=jnp.float32)
    Xt = jax.random.normal(k2, (8192, 2), dtype=jnp.float32)
    return {"Xc": Xc, "Xt": Xt}


def reference(Xc, Xt):
    # torch.cdist(Xc, Xt, p=2) ** 2  == squared Euclidean pairwise distances
    # computed via the expanded quadratic form (as cdist does internally),
    # with sqrt then square kept for numerical faithfulness.
    sq = (
        jnp.sum(Xc * Xc, axis=1)[:, None]
        + jnp.sum(Xt * Xt, axis=1)[None, :]
        - 2.0 * (Xc @ Xt.T)
    )
    sq = jnp.maximum(sq, 0.0)
    dists = jnp.sqrt(sq) ** 2
    min_dist_Xc = jnp.min(dists, axis=1)
    min_dist_Xt = jnp.min(dists, axis=0)
    loss = jnp.mean(min_dist_Xc) + jnp.mean(min_dist_Xt)
    return loss

if __name__ == "__main__":
    import jax
    _d = setup_inputs()
    print(jax.jit(kernel)(*tuple(_d.values())))

</pallas_src>

<mosaic_0001>
#map = affine_map<(d0, d1) -> (0)>
#map1 = affine_map<(d0, d1) -> (0, 0)>
module attributes {stable_mosaic.version = 14 : i64} {
  func.func @_sc_body(%arg0: i32, %arg1: i32, %arg2: memref<8192xf32, #tpu.memory_space<hbm>>, %arg3: memref<8192xf32, #tpu.memory_space<hbm>>, %arg4: memref<8192xf32, #tpu.memory_space<hbm>>, %arg5: memref<32768xf32, #tpu.memory_space<hbm>>, %arg6: memref<32768xf32, #tpu.memory_space<hbm>>, %arg7: memref<32768xf32, #tpu.memory_space<hbm>>, %arg8: memref<32x8192xf32, #tpu.memory_space<hbm>>, %arg9: memref<32x1024xf32, #tpu.memory_space<hbm>>, %arg10: memref<8192xf32, #tpu.memory_space<vmem>>, %arg11: memref<8192xf32, #tpu.memory_space<vmem>>, %arg12: memref<8192xf32, #tpu.memory_space<vmem>>, %arg13: memref<1024xf32, #tpu.memory_space<vmem>>, %arg14: memref<1024xf32, #tpu.memory_space<vmem>>, %arg15: memref<1024xf32, #tpu.memory_space<vmem>>, %arg16: memref<8192xf32, #tpu.memory_space<vmem>>, %arg17: memref<1024xf32, #tpu.memory_space<vmem>>) attributes {dimension_semantics = [#tpu.dimension_semantics<core_parallel>, #tpu.dimension_semantics<subcore_parallel>], iteration_bounds = array<i64: 2, 16>, scalar_prefetch = 0 : i64, scratch_operands = 8 : i64, tpu.core_type = #tpu.core_type<sc_vector_subcore>, window_params = [{transform_indices = #map}, {transform_indices = #map}, {transform_indices = #map}, {transform_indices = #map}, {transform_indices = #map}, {transform_indices = #map}, {transform_indices = #map1}, {transform_indices = #map1}]} {
    %mul3A = arith.constant 2 : i32
    %mul3A_0 = arith.muli %arg1, %mul3A : i32
    %add3A = arith.addi %mul3A_0, %arg0 : i32
    %mul3A_1 = arith.constant 64 : i32
    %mul3A_2 = arith.muli %add3A, %mul3A_1 : i32
    "tpu.region"() ({
      %run_scoped3A = tpu.sem_alloc : memref<!tpu.dma_semaphore, #tpu.memory_space<semaphore_mem>>
      tpu.enqueue_dma source(%arg2 : memref<8192xf32, #tpu.memory_space<hbm>>) target(%arg10 : memref<8192xf32, #tpu.memory_space<vmem>>) target_semaphore(%run_scoped3A : memref<!tpu.dma_semaphore, #tpu.memory_space<semaphore_mem>>)
      tpu.wait_dma2 semaphore(%run_scoped3A : memref<!tpu.dma_semaphore, #tpu.memory_space<semaphore_mem>>) src(%arg2 : memref<8192xf32, #tpu.memory_space<hbm>>) dst(%arg10 : memref<8192xf32, #tpu.memory_space<vmem>>)
      tpu.yield
    }) : () -> ()
    "tpu.region"() ({
      %run_scoped3A = tpu.sem_alloc : memref<!tpu.dma_semaphore, #tpu.memory_space<semaphore_mem>>
      tpu.enqueue_dma source(%arg3 : memref<8192xf32, #tpu.memory_space<hbm>>) target(%arg11 : memref<8192xf32, #tpu.memory_space<vmem>>) target_semaphore(%run_scoped3A : memref<!tpu.dma_semaphore, #tpu.memory_space<semaphore_mem>>)
      tpu.wait_dma2 semaphore(%run_scoped3A : memref<!tpu.dma_semaphore, #tpu.memory_space<semaphore_mem>>) src(%arg3 : memref<8192xf32, #tpu.memory_space<hbm>>) dst(%arg11 : memref<8192xf32, #tpu.memory_space<vmem>>)
      tpu.yield
    }) : () -> ()
    "tpu.region"() ({
      %run_scoped3A = tpu.sem_alloc : memref<!tpu.dma_semaphore, #tpu.memory_space<semaphore_mem>>
      tpu.enqueue_dma source(%arg4 : memref<8192xf32, #tpu.memory_space<hbm>>) target(%arg12 : memref<8192xf32, #tpu.memory_space<vmem>>) target_semaphore(%run_scoped3A : memref<!tpu.dma_semaphore, #tpu.memory_space<semaphore_mem>>)
      tpu.wait_dma2 semaphore(%run_scoped3A : memref<!tpu.dma_semaphore, #tpu.memory_space<semaphore_mem>>) src(%arg4 : memref<8192xf32, #tpu.memory_space<hbm>>) dst(%arg12 : memref<8192xf32, #tpu.memory_space<vmem>>)
      tpu.yield
    }) : () -> ()
    %mul3A_3 = arith.constant 16 : i32
    %mul3A_4 = arith.muli %mul3A_2, %mul3A_3 : i32
    "tpu.region"() ({
      %run_scoped3A = tpu.sem_alloc : memref<!tpu.dma_semaphore, #tpu.memory_space<semaphore_mem>>
      %dma_start3A = tpu.memref_slice %arg5[%mul3A_4] : memref<32768xf32, #tpu.memory_space<hbm>> -> memref<1024xf32, #tpu.memory_space<hbm>>
      %dma_start3A_21 = tpu.memref_slice %arg5[%mul3A_4] : memref<32768xf32, #tpu.memory_space<hbm>> -> memref<1024xf32, #tpu.memory_space<hbm>>
      tpu.enqueue_dma source(%dma_start3A_21 : memref<1024xf32, #tpu.memory_space<hbm>>) target(%arg13 : memref<1024xf32, #tpu.memory_space<vmem>>) target_semaphore(%run_scoped3A : memref<!tpu.dma_semaphore, #tpu.memory_space<semaphore_mem>>)
      %dma_wait3A = tpu.memref_slice %arg5[%mul3A_4] : memref<32768xf32, #tpu.memory_space<hbm>> -> memref<1024xf32, #tpu.memory_space<hbm>>
      %dma_wait3A_22 = tpu.memref_slice %arg5[%mul3A_4] : memref<32768xf32, #tpu.memory_space<hbm>> -> memref<1024xf32, #tpu.memory_space<hbm>>
      tpu.wait_dma2 semaphore(%run_scoped3A : memref<!tpu.dma_semaphore, #tpu.memory_space<semaphore_mem>>) src(%dma_wait3A_22 : memref<1024xf32, #tpu.memory_space<hbm>>) dst(%arg13 : memref<1024xf32, #tpu.memory_space<vmem>>)
      tpu.yield
    }) : () -> ()
    %mul3A_5 = arith.constant 16 : i32
    %mul3A_6 = arith.muli %mul3A_2, %mul3A_5 : i32
    "tpu.region"() ({
      %run_scoped3A = tpu.sem_alloc : memref<!tpu.dma_semaphore, #tpu.memory_space<semaphore_mem>>
      %dma_start3A = tpu.memref_slice %arg6[%mul3A_6] : memref<32768xf32, #tpu.memory_space<hbm>> -> memref<1024xf32, #tpu.memory_space<hbm>>
      %dma_start3A_21 = tpu.memref_slice %arg6[%mul3A_6] : memref<32768xf32, #tpu.memory_space<hbm>> -> memref<1024xf32, #tpu.memory_space<hbm>>
      tpu.enqueue_dma source(%dma_start3A_21 : memref<1024xf32, #tpu.memory_space<hbm>>) target(%arg14 : memref<1024xf32, #tpu.memory_space<vmem>>) target_semaphore(%run_scoped3A : memref<!tpu.dma_semaphore, #tpu.memory_space<semaphore_mem>>)
      %dma_wait3A = tpu.memref_slice %arg6[%mul3A_6] : memref<32768xf32, #tpu.memory_space<hbm>> -> memref<1024xf32, #tpu.memory_space<hbm>>
      %dma_wait3A_22 = tpu.memref_slice %arg6[%mul3A_6] : memref<32768xf32, #tpu.memory_space<hbm>> -> memref<1024xf32, #tpu.memory_space<hbm>>
      tpu.wait_dma2 semaphore(%run_scoped3A : memref<!tpu.dma_semaphore, #tpu.memory_space<semaphore_mem>>) src(%dma_wait3A_22 : memref<1024xf32, #tpu.memory_space<hbm>>) dst(%arg14 : memref<1024xf32, #tpu.memory_space<vmem>>)
      tpu.yield
    }) : () -> ()
    %mul3A_7 = arith.constant 16 : i32
    %mul3A_8 = arith.muli %mul3A_2, %mul3A_7 : i32
    "tpu.region"() ({
      %run_scoped3A = tpu.sem_alloc : memref<!tpu.dma_semaphore, #tpu.memory_space<semaphore_mem>>
      %dma_start3A = tpu.memref_slice %arg7[%mul3A_8] : memref<32768xf32, #tpu.memory_space<hbm>> -> memref<1024xf32, #tpu.memory_space<hbm>>
      %dma_start3A_21 = tpu.memref_slice %arg7[%mul3A_8] : memref<32768xf32, #tpu.memory_space<hbm>> -> memref<1024xf32, #tpu.memory_space<hbm>>
      tpu.enqueue_dma source(%dma_start3A_21 : memref<1024xf32, #tpu.memory_space<hbm>>) target(%arg15 : memref<1024xf32, #tpu.memory_space<vmem>>) target_semaphore(%run_scoped3A : memref<!tpu.dma_semaphore, #tpu.memory_space<semaphore_mem>>)
      %dma_wait3A = tpu.memref_slice %arg7[%mul3A_8] : memref<32768xf32, #tpu.memory_space<hbm>> -> memref<1024xf32, #tpu.memory_space<hbm>>
      %dma_wait3A_22 = tpu.memref_slice %arg7[%mul3A_8] : memref<32768xf32, #tpu.memory_space<hbm>> -> memref<1024xf32, #tpu.memory_space<hbm>>
      tpu.wait_dma2 semaphore(%run_scoped3A : memref<!tpu.dma_semaphore, #tpu.memory_space<semaphore_mem>>) src(%dma_wait3A_22 : memref<1024xf32, #tpu.memory_space<hbm>>) dst(%arg15 : memref<1024xf32, #tpu.memory_space<vmem>>)
      tpu.yield
    }) : () -> ()
    %broadcast_in_dim3A = arith.constant 0x7F800000 : f32
    %broadcast_in_dim3A_9 = vector.broadcast %broadcast_in_dim3A : f32 to vector<16xf32>
    %scan3A = arith.constant 0 : i32
    %scan3A_10 = arith.constant 0 : i32
    %scan3A_11 = arith.constant 512 : i32
    %scan3A_12 = arith.addi %scan3A_10, %scan3A_11 : i32
    %scan3A_13 = arith.constant 4 : i32
    scf.for %scan3A_21 = %scan3A_10 to %scan3A_12 step %scan3A_13  : i32 {
      %mul3A_22 = arith.constant 16 : i32
      %mul3A_23 = arith.muli %scan3A_21, %mul3A_22 : i32
      %swap3A = arith.index_cast %mul3A_23 : i32 to index
      %swap3A_24 = tpu.vector_load %arg16[%swap3A] {strides = array<i32>} : memref<8192xf32, #tpu.memory_space<vmem>>, vector<16xf32>,
      %swap3A_25 = vector.shape_cast %swap3A_24 : vector<16xf32> to vector<16xf32>
      %swap3A_26 = vector.shape_cast %broadcast_in_dim3A_9 : vector<16xf32> to vector<16xf32>
      tpu.vector_store %arg16[%swap3A], %swap3A_26 {strides = array<i32>} : memref<8192xf32, #tpu.memory_space<vmem>>, vector<16xf32>,
      %scan3A_27 = arith.constant 1 : i32
      %scan3A_28 = arith.addi %scan3A_21, %scan3A_27 : i32
      %mul3A_29 = arith.constant 16 : i32
      %mul3A_30 = arith.muli %scan3A_28, %mul3A_29 : i32
      %swap3A_31 = arith.index_cast %mul3A_30 : i32 to index
      %swap3A_32 = tpu.vector_load %arg16[%swap3A_31] {strides = array<i32>} : memref<8192xf32, #tpu.memory_space<vmem>>, vector<16xf32>,
      %swap3A_33 = vector.shape_cast %swap3A_32 : vector<16xf32> to vector<16xf32>
      %swap3A_34 = vector.shape_cast %broadcast_in_dim3A_9 : vector<16xf32> to vector<16xf32>
      tpu.vector_store %arg16[%swap3A_31], %swap3A_34 {strides = array<i32>} : memref<8192xf32, #tpu.memory_space<vmem>>, vector<16xf32>,
      %scan3A_35 = arith.constant 2 : i32
      %scan3A_36 = arith.addi %scan3A_21, %scan3A_35 : i32
      %mul3A_37 = arith.constant 16 : i32
      %mul3A_38 = arith.muli %scan3A_36, %mul3A_37 : i32
      %swap3A_39 = arith.index_cast %mul3A_38 : i32 to index
      %swap3A_40 = tpu.vector_load %arg16[%swap3A_39] {strides = array<i32>} : memref<8192xf32, #tpu.memory_space<vmem>>, vector<16xf32>,
      %swap3A_41 = vector.shape_cast %swap3A_40 : vector<16xf32> to vector<16xf32>
      %swap3A_42 = vector.shape_cast %broadcast_in_dim3A_9 : vector<16xf32> to vector<16xf32>
      tpu.vector_store %arg16[%swap3A_39], %swap3A_42 {strides = array<i32>} : memref<8192xf32, #tpu.memory_space<vmem>>, vector<16xf32>,
      %scan3A_43 = arith.constant 3 : i32
      %scan3A_44 = arith.addi %scan3A_21, %scan3A_43 : i32
      %mul3A_45 = arith.constant 16 : i32
      %mul3A_46 = arith.muli %scan3A_44, %mul3A_45 : i32
      %swap3A_47 = arith.index_cast %mul3A_46 : i32 to index
      %swap3A_48 = tpu.vector_load %arg16[%swap3A_47] {strides = array<i32>} : memref<8192xf32, #tpu.memory_space<vmem>>, vector<16xf32>,
      %swap3A_49 = vector.shape_cast %swap3A_48 : vector<16xf32> to vector<16xf32>
      %swap3A_50 = vector.shape_cast %broadcast_in_dim3A_9 : vector<16xf32> to vector<16xf32>
      tpu.vector_store %arg16[%swap3A_47], %swap3A_50 {strides = array<i32>} : memref<8192xf32, #tpu.memory_space<vmem>>, vector<16xf32>,
    }
    %scan3A_14 = arith.constant 512 : i32
    %scan3A_15 = arith.constant 0 : i32
    %scan3A_16 = arith.constant 0 : i32
    %scan3A_17 = arith.constant 16 : i32
    %scan3A_18 = arith.addi %scan3A_16, %scan3A_17 : i32
    %scan3A_19 = arith.constant 1 : i32
    scf.for %scan3A_21 = %scan3A_16 to %scan3A_18 step %scan3A_19  : i32 {
      %mul3A_22 = arith.constant 4 : i32
      %mul3A_23 = arith.muli %scan3A_21, %mul3A_22 : i32
      %add3A_24 = arith.constant 0 : i32
      %add3A_25 = arith.addi %mul3A_23, %add3A_24 : i32
      %mul3A_26 = arith.constant 16 : i32
      %mul3A_27 = arith.muli %add3A_25, %mul3A_26 : i32
      %get3A = arith.index_cast %mul3A_27 : i32 to index
      %get3A_28 = tpu.vector_load %arg13[%get3A] {strides = array<i32>} : memref<1024xf32, #tpu.memory_space<vmem>>, vector<16xf32>,
      %get3A_29 = vector.shape_cast %get3A_28 : vector<16xf32> to vector<16xf32>
      %add3A_30 = arith.constant 1 : i32
      %add3A_31 = arith.addi %mul3A_23, %add3A_30 : i32
      %mul3A_32 = arith.constant 16 : i32
      %mul3A_33 = arith.muli %add3A_31, %mul3A_32 : i32
      %get3A_34 = arith.index_cast %mul3A_33 : i32 to index
      %get3A_35 = tpu.vector_load %arg13[%get3A_34] {strides = array<i32>} : memref<1024xf32, #tpu.memory_space<vmem>>, vector<16xf32>,
      %get3A_36 = vector.shape_cast %get3A_35 : vector<16xf32> to vector<16xf32>
      %add3A_37 = arith.constant 2 : i32
      %add3A_38 = arith.addi %mul3A_23, %add3A_37 : i32
      %mul3A_39 = arith.constant 16 : i32
      %mul3A_40 = arith.muli %add3A_38, %mul3A_39 : i32
      %get3A_41 = arith.index_cast %mul3A_40 : i32 to index
      %get3A_42 = tpu.vector_load %arg13[%get3A_41] {strides = array<i32>} : memref<1024xf32, #tpu.memory_space<vmem>>, vector<16xf32>,
      %get3A_43 = vector.shape_cast %get3A_42 : vector<16xf32> to vector<16xf32>
      %add3A_44 = arith.constant 3 : i32
      %add3A_45 = arith.addi %mul3A_23, %add3A_44 : i32
      %mul3A_46 = arith.constant 16 : i32
      %mul3A_47 = arith.muli %add3A_45, %mul3A_46 : i32
      %get3A_48 = arith.index_cast %mul3A_47 : i32 to index
      %get3A_49 = tpu.vector_load %arg13[%get3A_48] {strides = array<i32>} : memref<1024xf32, #tpu.memory_space<vmem>>, vector<16xf32>,
      %get3A_50 = vector.shape_cast %get3A_49 : vector<16xf32> to vector<16xf32>
      %add3A_51 = arith.constant 0 : i32
      %add3A_52 = arith.addi %mul3A_23, %add3A_51 : i32
      %mul3A_53 = arith.constant 16 : i32
      %mul3A_54 = arith.muli %add3A_52, %mul3A_53 : i32
      %get3A_55 = arith.index_cast %mul3A_54 : i32 to index
      %get3A_56 = tpu.vector_load %arg14[%get3A_55] {strides = array<i32>} : memref<1024xf32, #tpu.memory_space<vmem>>, vector<16xf32>,
      %get3A_57 = vector.shape_cast %get3A_56 : vector<16xf32> to vector<16xf32>
      %add3A_58 = arith.constant 1 : i32
      %add3A_59 = arith.addi %mul3A_23, %add3A_58 : i32
      %mul3A_60 = arith.constant 16 : i32
      %mul3A_61 = arith.muli %add3A_59, %mul3A_60 : i32
      %get3A_62 = arith.index_cast %mul3A_61 : i32 to index
      %get3A_63 = tpu.vector_load %arg14[%get3A_62] {strides = array<i32>} : memref<1024xf32, #tpu.memory_space<vmem>>, vector<16xf32>,
      %get3A_64 = vector.shape_cast %get3A_63 : vector<16xf32> to vector<16xf32>
      %add3A_65 = arith.constant 2 : i32
      %add3A_66 = arith.addi %mul3A_23, %add3A_65 : i32
      %mul3A_67 = arith.constant 16 : i32
      %mul3A_68 = arith.muli %add3A_66, %mul3A_67 : i32
      %get3A_69 = arith.index_cast %mul3A_68 : i32 to index
      %get3A_70 = tpu.vector_load %arg14[%get3A_69] {strides = array<i32>} : memref<1024xf32, #tpu.memory_space<vmem>>, vector<16xf32>,
      %get3A_71 = vector.shape_cast %get3A_70 : vector<16xf32> to vector<16xf32>
      %add3A_72 = arith.constant 3 : i32
      %add3A_73 = arith.addi %mul3A_23, %add3A_72 : i32
      %mul3A_74 = arith.constant 16 : i32
      %mul3A_75 = arith.muli %add3A_73, %mul3A_74 : i32
      %get3A_76 = arith.index_cast %mul3A_75 : i32 to index
      %get3A_77 = tpu.vector_load %arg14[%get3A_76] {strides = array<i32>} : memref<1024xf32, #tpu.memory_space<vmem>>, vector<16xf32>,
      %get3A_78 = vector.shape_cast %get3A_77 : vector<16xf32> to vector<16xf32>
      %add3A_79 = arith.constant 0 : i32
      %add3A_80 = arith.addi %mul3A_23, %add3A_79 : i32
      %mul3A_81 = arith.constant 16 : i32
      %mul3A_82 = arith.muli %add3A_80, %mul3A_81 : i32
      %get3A_83 = arith.index_cast %mul3A_82 : i32 to index
      %get3A_84 = tpu.vector_load %arg15[%get3A_83] {strides = array<i32>} : memref<1024xf32, #tpu.memory_space<vmem>>, vector<16xf32>,
      %get3A_85 = vector.shape_cast %get3A_84 : vector<16xf32> to vector<16xf32>
      %add3A_86 = arith.constant 1 : i32
      %add3A_87 = arith.addi %mul3A_23, %add3A_86 : i32
      %mul3A_88 = arith.constant 16 : i32
      %mul3A_89 = arith.muli %add3A_87, %mul3A_88 : i32
      %get3A_90 = arith.index_cast %mul3A_89 : i32 to index
      %get3A_91 = tpu.vector_load %arg15[%get3A_90] {strides = array<i32>} : memref<1024xf32, #tpu.memory_space<vmem>>, vector<16xf32>,
      %get3A_92 = vector.shape_cast %get3A_91 : vector<16xf32> to vector<16xf32>
      %add3A_93 = arith.constant 2 : i32
      %add3A_94 = arith.addi %mul3A_23, %add3A_93 : i32
      %mul3A_95 = arith.constant 16 : i32
      %mul3A_96 = arith.muli %add3A_94, %mul3A_95 : i32
      %get3A_97 = arith.index_cast %mul3A_96 : i32 to index
      %get3A_98 = tpu.vector_load %arg15[%get3A_97] {strides = array<i32>} : memref<1024xf32, #tpu.memory_space<vmem>>, vector<16xf32>,
      %get3A_99 = vector.shape_cast %get3A_98 : vector<16xf32> to vector<16xf32>
      %add3A_100 = arith.constant 3 : i32
      %add3A_101 = arith.addi %mul3A_23, %add3A_100 : i32
      %mul3A_102 = arith.constant 16 : i32
      %mul3A_103 = arith.muli %add3A_101, %mul3A_102 : i32
      %get3A_104 = arith.index_cast %mul3A_103 : i32 to index
      %get3A_105 = tpu.vector_load %arg15[%get3A_104] {strides = array<i32>} : memref<1024xf32, #tpu.memory_space<vmem>>, vector<16xf32>,
      %get3A_106 = vector.shape_cast %get3A_105 : vector<16xf32> to vector<16xf32>
      %scan3A_107 = arith.constant 0 : i32
      %scan3A_108 = arith.constant 512 : i32
      %scan3A_109 = arith.addi %scan3A_107, %scan3A_108 : i32
      %scan3A_110 = arith.constant 2 : i32
      %scan3A_111:4 = scf.for %scan3A_148 = %scan3A_107 to %scan3A_109 step %scan3A_110 iter_args(%scan3A_149 = %broadcast_in_dim3A_9, %scan3A_150 = %broadcast_in_dim3A_9, %scan3A_151 = %broadcast_in_dim3A_9, %scan3A_152 = %broadcast_in_dim3A_9) -> (vector<16xf32>, vector<16xf32>, vector<16xf32>, vector<16xf32>)  : i32 {
        %mul3A_153 = arith.constant 16 : i32
        %mul3A_154 = arith.muli %scan3A_148, %mul3A_153 : i32
        %get3A_155 = arith.index_cast %mul3A_154 : i32 to index
        %get3A_156 = tpu.vector_load %arg10[%get3A_155] {strides = array<i32>} : memref<8192xf32, #tpu.memory_space<vmem>>, vector<16xf32>,
        %get3A_157 = vector.shape_cast %get3A_156 : vector<16xf32> to vector<16xf32>
        %get3A_158 = arith.index_cast %mul3A_154 : i32 to index
        %get3A_159 = tpu.vector_load %arg11[%get3A_158] {strides = array<i32>} : memref<8192xf32, #tpu.memory_space<vmem>>, vector<16xf32>,
        %get3A_160 = vector.shape_cast %get3A_159 : vector<16xf32> to vector<16xf32>
        %get3A_161 = arith.index_cast %mul3A_154 : i32 to index
        %get3A_162 = tpu.vector_load %arg12[%get3A_161] {strides = array<i32>} : memref<8192xf32, #tpu.memory_space<vmem>>, vector<16xf32>,
        %get3A_163 = vector.shape_cast %get3A_162 : vector<16xf32> to vector<16xf32>
        %get3A_164 = arith.index_cast %mul3A_154 : i32 to index
        %get3A_165 = tpu.vector_load %arg16[%get3A_164] {strides = array<i32>} : memref<8192xf32, #tpu.memory_space<vmem>>, vector<16xf32>,
        %get3A_166 = vector.shape_cast %get3A_165 : vector<16xf32> to vector<16xf32>
        %mul3A_167 = arith.mulf %get3A_29, %get3A_157 : vector<16xf32>
        %mul3A_168 = arith.mulf %get3A_57, %get3A_160 : vector<16xf32>
        %add3A_169 = arith.addf %mul3A_167, %mul3A_168 : vector<16xf32>
        %add3A_170 = arith.addf %add3A_169, %get3A_163 : vector<16xf32>
        %min3A = arith.minimumf %scan3A_149, %add3A_170 : vector<16xf32>
        %add3A_171 = arith.addf %add3A_170, %get3A_85 : vector<16xf32>
        %min3A_172 = arith.minimumf %get3A_166, %add3A_171 : vector<16xf32>
        %mul3A_173 = arith.mulf %get3A_36, %get3A_157 : vector<16xf32>
        %mul3A_174 = arith.mulf %get3A_64, %get3A_160 : vector<16xf32>
        %add3A_175 = arith.addf %mul3A_173, %mul3A_174 : vector<16xf32>
        %add3A_176 = arith.addf %add3A_175, %get3A_163 : vector<16xf32>
        %min3A_177 = arith.minimumf %scan3A_150, %add3A_176 : vector<16xf32>
        %add3A_178 = arith.addf %add3A_176, %get3A_92 : vector<16xf32>
        %min3A_179 = arith.minimumf %min3A_172, %add3A_178 : vector<16xf32>
        %mul3A_180 = arith.mulf %get3A_43, %get3A_157 : vector<16xf32>
        %mul3A_181 = arith.mulf %get3A_71, %get3A_160 : vector<16xf32>
        %add3A_182 = arith.addf %mul3A_180, %mul3A_181 : vector<16xf32>
        %add3A_183 = arith.addf %add3A_182, %get3A_163 : vector<16xf32>
        %min3A_184 = arith.minimumf %scan3A_151, %add3A_183 : vector<16xf32>
        %add3A_185 = arith.addf %add3A_183, %get3A_99 : vector<16xf32>
        %min3A_186 = arith.minimumf %min3A_179, %add3A_185 : vector<16xf32>
        %mul3A_187 = arith.mulf %get3A_50, %get3A_157 : vector<16xf32>
        %mul3A_188 = arith.mulf %get3A_78, %get3A_160 : vector<16xf32>
        %add3A_189 = arith.addf %mul3A_187, %mul3A_188 : vector<16xf32>
        %add3A_190 = arith.addf %add3A_189, %get3A_163 : vector<16xf32>
        %min3A_191 = arith.minimumf %scan3A_152, %add3A_190 : vector<16xf32>
        %add3A_192 = arith.addf %add3A_190, %get3A_106 : vector<16xf32>
        %min3A_193 = arith.minimumf %min3A_186, %add3A_192 : vector<16xf32>
        %swap3A_194 = arith.index_cast %mul3A_154 : i32 to index
        %swap3A_195 = tpu.vector_load %arg16[%swap3A_194] {strides = array<i32>} : memref<8192xf32, #tpu.memory_space<vmem>>, vector<16xf32>,
        %swap3A_196 = vector.shape_cast %swap3A_195 : vector<16xf32> to vector<16xf32>
        %swap3A_197 = vector.shape_cast %min3A_193 : vector<16xf32> to vector<16xf32>
        tpu.vector_store %arg16[%swap3A_194], %swap3A_197 {strides = array<i32>} : memref<8192xf32, #tpu.memory_space<vmem>>, vector<16xf32>,
        %scan3A_198 = arith.constant 1 : i32
        %scan3A_199 = arith.addi %scan3A_148, %scan3A_198 : i32
        %mul3A_200 = arith.constant 16 : i32
        %mul3A_201 = arith.muli %scan3A_199, %mul3A_200 : i32
        %get3A_202 = arith.index_cast %mul3A_201 : i32 to index
        %get3A_203 = tpu.vector_load %arg10[%get3A_202] {strides = array<i32>} : memref<8192xf32, #tpu.memory_space<vmem>>, vector<16xf32>,
        %get3A_204 = vector.shape_cast %get3A_203 : vector<16xf32> to vector<16xf32>
        %get3A_205 = arith.index_cast %mul3A_201 : i32 to index
        %get3A_206 = tpu.vector_load %arg11[%get3A_205] {strides = array<i32>} : memref<8192xf32, #tpu.memory_space<vmem>>, vector<16xf32>,
        %get3A_207 = vector.shape_cast %get3A_206 : vector<16xf32> to vector<16xf32>
        %get3A_208 = arith.index_cast %mul3A_201 : i32 to index
        %get3A_209 = tpu.vector_load %arg12[%get3A_208] {strides = array<i32>} : memref<8192xf32, #tpu.memory_space<vmem>>, vector<16xf32>,
        %get3A_210 = vector.shape_cast %get3A_209 : vector<16xf32> to vector<16xf32>
        %get3A_211 = arith.index_cast %mul3A_201 : i32 to index
        %get3A_212 = tpu.vector_load %arg16[%get3A_211] {strides = array<i32>} : memref<8192xf32, #tpu.memory_space<vmem>>, vector<16xf32>,
        %get3A_213 = vector.shape_cast %get3A_212 : vector<16xf32> to vector<16xf32>
        %mul3A_214 = arith.mulf %get3A_29, %get3A_204 : vector<16xf32>
        %mul3A_215 = arith.mulf %get3A_57, %get3A_207 : vector<16xf32>
        %add3A_216 = arith.addf %mul3A_214, %mul3A_215 : vector<16xf32>
        %add3A_217 = arith.addf %add3A_216, %get3A_210 : vector<16xf32>
        %min3A_218 = arith.minimumf %min3A, %add3A_217 : vector<16xf32>
        %add3A_219 = arith.addf %add3A_217, %get3A_85 : vector<16xf32>
        %min3A_220 = arith.minimumf %get3A_213, %add3A_219 : vector<16xf32>
        %mul3A_221 = arith.mulf %get3A_36, %get3A_204 : vector<16xf32>
        %mul3A_222 = arith.mulf %get3A_64, %get3A_207 : vector<16xf32>
        %add3A_223 = arith.addf %mul3A_221, %mul3A_222 : vector<16xf32>
        %add3A_224 = arith.addf %add3A_223, %get3A_210 : vector<16xf32>
        %min3A_225 = arith.minimumf %min3A_177, %add3A_224 : vector<16xf32>
        %add3A_226 = arith.addf %add3A_224, %get3A_92 : vector<16xf32>
        %min3A_227 = arith.minimumf %min3A_220, %add3A_226 : vector<16xf32>
        %mul3A_228 = arith.mulf %get3A_43, %get3A_204 : vector<16xf32>
        %mul3A_229 = arith.mulf %get3A_71, %get3A_207 : vector<16xf32>
        %add3A_230 = arith.addf %mul3A_228, %mul3A_229 : vector<16xf32>
        %add3A_231 = arith.addf %add3A_230, %get3A_210 : vector<16xf32>
        %min3A_232 = arith.minimumf %min3A_184, %add3A_231 : vector<16xf32>
        %add3A_233 = arith.addf %add3A_231, %get3A_99 : vector<16xf32>
        %min3A_234 = arith.minimumf %min3A_227, %add3A_233 : vector<16xf32>
        %mul3A_235 = arith.mulf %get3A_50, %get3A_204 : vector<16xf32>
        %mul3A_236 = arith.mulf %get3A_78, %get3A_207 : vector<16xf32>
        %add3A_237 = arith.addf %mul3A_235, %mul3A_236 : vector<16xf32>
        %add3A_238 = arith.addf %add3A_237, %get3A_210 : vector<16xf32>
        %min3A_239 = arith.minimumf %min3A_191, %add3A_238 : vector<16xf32>
        %add3A_240 = arith.addf %add3A_238, %get3A_106 : vector<16xf32>
        %min3A_241 = arith.minimumf %min3A_234, %add3A_240 : vector<16xf32>
        %swap3A_242 = arith.index_cast %mul3A_201 : i32 to index
        %swap3A_243 = tpu.vector_load %arg16[%swap3A_242] {strides = array<i32>} : memref<8192xf32, #tpu.memory_space<vmem>>, vector<16xf32>,
        %swap3A_244 = vector.shape_cast %swap3A_243 : vector<16xf32> to vector<16xf32>
        %swap3A_245 = vector.shape_cast %min3A_241 : vector<16xf32> to vector<16xf32>
        tpu.vector_store %arg16[%swap3A_242], %swap3A_245 {strides = array<i32>} : memref<8192xf32, #tpu.memory_space<vmem>>, vector<16xf32>,
        scf.yield %min3A_218, %min3A_225, %min3A_232, %min3A_239 : vector<16xf32>, vector<16xf32>, vector<16xf32>, vector<16xf32>
      }
      %scan3A_112 = arith.constant 512 : i32
      %add3A_113 = arith.addf %get3A_85, %scan3A_111#0 : vector<16xf32>
      %add3A_114 = arith.constant 0 : i32
      %add3A_115 = arith.addi %mul3A_23, %add3A_114 : i32
      %mul3A_116 = arith.constant 16 : i32
      %mul3A_117 = arith.muli %add3A_115, %mul3A_116 : i32
      %swap3A = arith.index_cast %mul3A_117 : i32 to index
      %swap3A_118 = tpu.vector_load %arg17[%swap3A] {strides = array<i32>} : memref<1024xf32, #tpu.memory_space<vmem>>, vector<16xf32>,
      %swap3A_119 = vector.shape_cast %swap3A_118 : vector<16xf32> to vector<16xf32>
      %swap3A_120 = vector.shape_cast %add3A_113 : vector<16xf32> to vector<16xf32>
      tpu.vector_store %arg17[%swap3A], %swap3A_120 {strides = array<i32>} : memref<1024xf32, #tpu.memory_space<vmem>>, vector<16xf32>,
      %add3A_121 = arith.addf %get3A_92, %scan3A_111#1 : vector<16xf32>
      %add3A_122 = arith.constant 1 : i32
      %add3A_123 = arith.addi %mul3A_23, %add3A_122 : i32
      %mul3A_124 = arith.constant 16 : i32
      %mul3A_125 = arith.muli %add3A_123, %mul3A_124 : i32
      %swap3A_126 = arith.index_cast %mul3A_125 : i32 to index
      %swap3A_127 = tpu.vector_load %arg17[%swap3A_126] {strides = array<i32>} : memref<1024xf32, #tpu.memory_space<vmem>>, vector<16xf32>,
      %swap3A_128 = vector.shape_cast %swap3A_127 : vector<16xf32> to vector<16xf32>
      %swap3A_129 = vector.shape_cast %add3A_121 : vector<16xf32> to vector<16xf32>
      tpu.vector_store %arg17[%swap3A_126], %swap3A_129 {strides = array<i32>} : memref<1024xf32, #tpu.memory_space<vmem>>, vector<16xf32>,
      %add3A_130 = arith.addf %get3A_99, %scan3A_111#2 : vector<16xf32>
      %add3A_131 = arith.constant 2 : i32
      %add3A_132 = arith.addi %mul3A_23, %add3A_131 : i32
      %mul3A_133 = arith.constant 16 : i32
      %mul3A_134 = arith.muli %add3A_132, %mul3A_133 : i32
      %swap3A_135 = arith.index_cast %mul3A_134 : i32 to index
      %swap3A_136 = tpu.vector_load %arg17[%swap3A_135] {strides = array<i32>} : memref<1024xf32, #tpu.memory_space<vmem>>, vector<16xf32>,
      %swap3A_137 = vector.shape_cast %swap3A_136 : vector<16xf32> to vector<16xf32>
      %swap3A_138 = vector.shape_cast %add3A_130 : vector<16xf32> to vector<16xf32>
      tpu.vector_store %arg17[%swap3A_135], %swap3A_138 {strides = array<i32>} : memref<1024xf32, #tpu.memory_space<vmem>>, vector<16xf32>,
      %add3A_139 = arith.addf %get3A_106, %scan3A_111#3 : vector<16xf32>
      %add3A_140 = arith.constant 3 : i32
      %add3A_141 = arith.addi %mul3A_23, %add3A_140 : i32
      %mul3A_142 = arith.constant 16 : i32
      %mul3A_143 = arith.muli %add3A_141, %mul3A_142 : i32
      %swap3A_144 = arith.index_cast %mul3A_143 : i32 to index
      %swap3A_145 = tpu.vector_load %arg17[%swap3A_144] {strides = array<i32>} : memref<1024xf32, #tpu.memory_space<vmem>>, vector<16xf32>,
      %swap3A_146 = vector.shape_cast %swap3A_145 : vector<16xf32> to vector<16xf32>
      %swap3A_147 = vector.shape_cast %add3A_139 : vector<16xf32> to vector<16xf32>
      tpu.vector_store %arg17[%swap3A_144], %swap3A_147 {strides = array<i32>} : memref<1024xf32, #tpu.memory_space<vmem>>, vector<16xf32>,
    }
    %scan3A_20 = arith.constant 16 : i32
    "tpu.region"() ({
      %run_scoped3A = tpu.sem_alloc : memref<!tpu.dma_semaphore, #tpu.memory_space<semaphore_mem>>
      %dma_start3A = arith.constant 0 : i32
      %dma_start3A_21 = tpu.memref_slice %arg8[%add3A, %dma_start3A] : memref<32x8192xf32, #tpu.memory_space<hbm>> -> memref<1x8192xf32, #tpu.memory_space<hbm>>
      %dma_start3A_22 = tpu.memref_squeeze %dma_start3A_21 : memref<1x8192xf32, #tpu.memory_space<hbm>> -> memref<8192xf32, #tpu.memory_space<hbm>>
      %dma_start3A_23 = arith.constant 0 : i32
      %dma_start3A_24 = tpu.memref_slice %arg8[%add3A, %dma_start3A_23] : memref<32x8192xf32, #tpu.memory_space<hbm>> -> memref<1x8192xf32, #tpu.memory_space<hbm>>
      %dma_start3A_25 = tpu.memref_squeeze %dma_start3A_24 : memref<1x8192xf32, #tpu.memory_space<hbm>> -> memref<8192xf32, #tpu.memory_space<hbm>>
      tpu.enqueue_dma source(%arg16 : memref<8192xf32, #tpu.memory_space<vmem>>) target(%dma_start3A_25 : memref<8192xf32, #tpu.memory_space<hbm>>) target_semaphore(%run_scoped3A : memref<!tpu.dma_semaphore, #tpu.memory_space<semaphore_mem>>)
      %dma_wait3A = arith.constant 0 : i32
      %dma_wait3A_26 = tpu.memref_slice %arg8[%add3A, %dma_wait3A] : memref<32x8192xf32, #tpu.memory_space<hbm>> -> memref<1x8192xf32, #tpu.memory_space<hbm>>
      %dma_wait3A_27 = tpu.memref_squeeze %dma_wait3A_26 : memref<1x8192xf32, #tpu.memory_space<hbm>> -> memref<8192xf32, #tpu.memory_space<hbm>>
      %dma_wait3A_28 = arith.constant 0 : i32
      %dma_wait3A_29 = tpu.memref_slice %arg8[%add3A, %dma_wait3A_28] : memref<32x8192xf32, #tpu.memory_space<hbm>> -> memref<1x8192xf32, #tpu.memory_space<hbm>>
      %dma_wait3A_30 = tpu.memref_squeeze %dma_wait3A_29 : memref<1x8192xf32, #tpu.memory_space<hbm>> -> memref<8192xf32, #tpu.memory_space<hbm>>
      tpu.wait_dma2 semaphore(%run_scoped3A : memref<!tpu.dma_semaphore, #tpu.memory_space<semaphore_mem>>) src(%arg16 : memref<8192xf32, #tpu.memory_space<vmem>>) dst(%dma_wait3A_30 : memref<8192xf32, #tpu.memory_space<hbm>>)
      tpu.yield
    }) : () -> ()
    "tpu.region"() ({
      %run_scoped3A = tpu.sem_alloc : memref<!tpu.dma_semaphore, #tpu.memory_space<semaphore_mem>>
      %dma_start3A = arith.constant 0 : i32
      %dma_start3A_21 = tpu.memref_slice %arg9[%add3A, %dma_start3A] : memref<32x1024xf32, #tpu.memory_space<hbm>> -> memref<1x1024xf32, #tpu.memory_space<hbm>>
      %dma_start3A_22 = tpu.memref_squeeze %dma_start3A_21 : memref<1x1024xf32, #tpu.memory_space<hbm>> -> memref<1024xf32, #tpu.memory_space<hbm>>
      %dma_start3A_23 = arith.constant 0 : i32
      %dma_start3A_24 = tpu.memref_slice %arg9[%add3A, %dma_start3A_23] : memref<32x1024xf32, #tpu.memory_space<hbm>> -> memref<1x1024xf32, #tpu.memory_space<hbm>>
      %dma_start3A_25 = tpu.memref_squeeze %dma_start3A_24 : memref<1x1024xf32, #tpu.memory_space<hbm>> -> memref<1024xf32, #tpu.memory_space<hbm>>
      tpu.enqueue_dma source(%arg17 : memref<1024xf32, #tpu.memory_space<vmem>>) target(%dma_start3A_25 : memref<1024xf32, #tpu.memory_space<hbm>>) target_semaphore(%run_scoped3A : memref<!tpu.dma_semaphore, #tpu.memory_space<semaphore_mem>>)
      %dma_wait3A = arith.constant 0 : i32
      %dma_wait3A_26 = tpu.memref_slice %arg9[%add3A, %dma_wait3A] : memref<32x1024xf32, #tpu.memory_space<hbm>> -> memref<1x1024xf32, #tpu.memory_space<hbm>>
      %dma_wait3A_27 = tpu.memref_squeeze %dma_wait3A_26 : memref<1x1024xf32, #tpu.memory_space<hbm>> -> memref<1024xf32, #tpu.memory_space<hbm>>
      %dma_wait3A_28 = arith.constant 0 : i32
      %dma_wait3A_29 = tpu.memref_slice %arg9[%add3A, %dma_wait3A_28] : memref<32x1024xf32, #tpu.memory_space<hbm>> -> memref<1x1024xf32, #tpu.memory_space<hbm>>
      %dma_wait3A_30 = tpu.memref_squeeze %dma_wait3A_29 : memref<1x1024xf32, #tpu.memory_space<hbm>> -> memref<1024xf32, #tpu.memory_space<hbm>>
      tpu.wait_dma2 semaphore(%run_scoped3A : memref<!tpu.dma_semaphore, #tpu.memory_space<semaphore_mem>>) src(%arg17 : memref<1024xf32, #tpu.memory_space<vmem>>) dst(%dma_wait3A_30 : memref<1024xf32, #tpu.memory_space<hbm>>)
      tpu.yield
    }) : () -> ()
    return
  }
}

module attributes {stable_mosaic.version = 14 : i64} {
  func.func @_tc_body(%arg0: i32, %arg1: memref<1024x8xbf16, #tpu.memory_space<vmem>>, %arg2: memref<8x8192xbf16, #tpu.memory_space<vmem>>, %arg3: memref<1x8192xf32, #tpu.memory_space<vmem>>, %arg4: memref<1x1xf32, #tpu.memory_space<smem>>) attributes {dimension_semantics = [#tpu.dimension_semantics<arbitrary>], iteration_bounds = array<i64: 6>, scalar_prefetch = 0 : i64, scratch_operands = 0 : i64, tpu.core_type = #tpu.core_type<tc>, window_params = [{transform_indices = @transform_0, window_bounds = array<i64: 1024, 8>}, {pipeline_mode = #tpu.pipeline_mode<synchronous>, transform_indices = @transform_1, window_bounds = array<i64: 8, 8192>}, {pipeline_mode = #tpu.pipeline_mode<synchronous>, transform_indices = @transform_2, window_bounds = array<i64: 1, 8192>}, {transform_indices = @transform_3, window_bounds = array<i64: 1, 1>}]} {
    %eq3A = arith.constant 0 : i32
    %eq3A_0 = arith.cmpi eq, %arg0, %eq3A : i32
    %convert_element_type3A = arith.extui %eq3A_0 : i1 to i32
    %cond3A = arith.constant 0 : i32
    %cond3A_1 = arith.cmpi ne, %convert_element_type3A, %cond3A : i32
    scf.if %cond3A_1 {
      %broadcast_in_dim3A_29 = arith.constant 0x7F800000 : f32
      %broadcast_in_dim3A_30 = vector.broadcast %broadcast_in_dim3A_29 : f32 to vector<1x8192xf32>
      %swap3A_31 = arith.constant 0 : index
      %swap3A_32 = arith.constant 0 : index
      %swap3A_33 = vector.load %arg3[%swap3A_31, %swap3A_32] : memref<1x8192xf32, #tpu.memory_space<vmem>>, vector<1x8192xf32>
      tpu.vector_store %arg3[%swap3A_31, %swap3A_32], %broadcast_in_dim3A_30 {strides = array<i32>} : memref<1x8192xf32, #tpu.memory_space<vmem>>, vector<1x8192xf32>,
      %swap3A_34 = arith.constant 0.000000e+00 : f32
      %swap3A_35 = arith.constant 0 : index
      %swap3A_36 = arith.constant 0 : index
      %swap3A_37 = memref.load %arg4[%swap3A_35, %swap3A_36] : memref<1x1xf32, #tpu.memory_space<smem>>
      memref.store %swap3A_34, %arg4[%swap3A_35, %swap3A_36] : memref<1x1xf32, #tpu.memory_space<smem>>
    } else {
    }
    %get3A = arith.constant 0 : index
    %get3A_2 = arith.constant 0 : index
    %get3A_3 = vector.load %arg1[%get3A, %get3A_2] : memref<1024x8xbf16, #tpu.memory_space<vmem>>, vector<1024x8xbf16>
    %get3A_4 = arith.constant 0 : index
    %get3A_5 = arith.constant 0 : index
    %get3A_6 = vector.load %arg2[%get3A_4, %get3A_5] : memref<8x8192xbf16, #tpu.memory_space<vmem>>, vector<8x8192xbf16>
    %dot_general3A = arith.constant dense<0.000000e+00> : vector<1024x8192xf32>
    %dot_general3A_7 = tpu.matmul %get3A_3, %get3A_6, %dot_general3A {dimension_numbers = #tpu.dot_dimension_numbers<[1], [0], [0], [1], [0, 0, 1, 1], [], []>, transpose_lhs_hint = false} : vector<1024x8xbf16>, vector<8x8192xbf16>, vector<1024x8192xf32> -> vector<1024x8192xf32>
    %reduce_min3A = arith.constant dense<0x7F800000> : vector<1024xf32>
    %reduce_min3A_8 = vector.multi_reduction <minimumf>, %dot_general3A_7, %reduce_min3A [1] : vector<1024x8192xf32> to vector<1024xf32>
    %broadcast_in_dim3A = vector.shape_cast %reduce_min3A_8 : vector<1024xf32> to vector<1024x1xf32>
    %get3A_9 = arith.constant 0 : index
    %get3A_10 = arith.constant 0 : index
    %get3A_11 = memref.load %arg4[%get3A_9, %get3A_10] : memref<1x1xf32, #tpu.memory_space<smem>>
    %max3A = arith.constant 0.000000e+00 : f32
    %max3A_12 = vector.broadcast %max3A : f32 to vector<1024x1xf32>
    %max3A_13 = arith.maximumf %broadcast_in_dim3A, %max3A_12 : vector<1024x1xf32>
    %reduce_sum3A = vector.shape_cast %max3A_13 : vector<1024x1xf32> to vector<1x1024x1xf32>
    %reduce_sum3A_14 = arith.constant dense<0.000000e+00> : vector<1xf32>
    %reduce_sum3A_15 = vector.multi_reduction <add>, %reduce_sum3A, %reduce_sum3A_14 [1, 2] : vector<1x1024x1xf32> to vector<1xf32>
    %reduce_sum3A_16 = vector.shape_cast %reduce_sum3A_15 : vector<1xf32> to vector<1x1x1xf32>
    %reduce_sum3A_17 = vector.extract %reduce_sum3A_16[0, 0, 0] : f32 from vector<1x1x1xf32>
    %add3A = arith.addf %get3A_11, %reduce_sum3A_17 : f32
    %swap3A = arith.constant 0 : index
    %swap3A_18 = arith.constant 0 : index
    %swap3A_19 = memref.load %arg4[%swap3A, %swap3A_18] : memref<1x1xf32, #tpu.memory_space<smem>>
    memref.store %add3A, %arg4[%swap3A, %swap3A_18] : memref<1x1xf32, #tpu.memory_space<smem>>
    %get3A_20 = arith.constant 0 : index
    %get3A_21 = arith.constant 0 : index
    %get3A_22 = vector.load %arg3[%get3A_20, %get3A_21] : memref<1x8192xf32, #tpu.memory_space<vmem>>, vector<1x8192xf32>
    %reduce_min3A_23 = arith.constant dense<0x7F800000> : vector<8192xf32>
    %reduce_min3A_24 = vector.multi_reduction <minimumf>, %dot_general3A_7, %reduce_min3A_23 [0] : vector<1024x8192xf32> to vector<8192xf32>
    %broadcast_in_dim3A_25 = vector.shape_cast %reduce_min3A_24 : vector<8192xf32> to vector<1x8192xf32>
    %min3A = arith.minimumf %get3A_22, %broadcast_in_dim3A_25 : vector<1x8192xf32>
    %swap3A_26 = arith.constant 0 : index
    %swap3A_27 = arith.constant 0 : index
    %swap3A_28 = vector.load %arg3[%swap3A_26, %swap3A_27] : memref<1x8192xf32, #tpu.memory_space<vmem>>, vector<1x8192xf32>
    tpu.vector_store %arg3[%swap3A_26, %swap3A_27], %min3A {strides = array<i32>} : memref<1x8192xf32, #tpu.memory_space<vmem>>, vector<1x8192xf32>,
    return
  }
  func.func @transform_0(%arg0: i32) -> (i32, i32) {
    %c0_i32 = arith.constant 0 : i32
    %c0_i32_0 = arith.constant 0 : i32
    return %arg0, %c0_i32 : i32, i32
  }
  func.func @transform_1(%arg0: i32) -> (i32, i32) {
    %c0_i32 = arith.constant 0 : i32
    %c0_i32_0 = arith.constant 0 : i32
    %c0_i32_1 = arith.constant 0 : i32
    return %c0_i32, %c0_i32_0 : i32, i32
  }
  func.func @transform_2(%arg0: i32) -> (i32, i32) {
    %c0_i32 = arith.constant 0 : i32
    %c0_i32_0 = arith.constant 0 : i32
    %c0_i32_1 = arith.constant 0 : i32
    return %c0_i32, %c0_i32_0 : i32, i32
  }
  func.func @transform_3(%arg0: i32) -> (i32, i32) {
    %c0_i32 = arith.constant 0 : i32
    %c0_i32_0 = arith.constant 0 : i32
    %c0_i32_1 = arith.constant 0 : i32
    return %c0_i32, %c0_i32_0 : i32, i32
  }
}

module attributes {stable_mosaic.version = 14 : i64} {
  func.func @_combine_body(%arg0: memref<32x8192xf32, #tpu.memory_space<vmem>>, %arg1: memref<1x8192xf32, #tpu.memory_space<vmem>>, %arg2: memref<2048x16xf32, #tpu.memory_space<vmem>>, %arg3: memref<1x1xf32, #tpu.memory_space<vmem>>, %arg4: memref<1x1xf32, #tpu.memory_space<smem>>) attributes {dimension_semantics = [], scalar_prefetch = 0 : i64, scratch_operands = 0 : i64, tpu.core_type = #tpu.core_type<tc>} {
    %get3A = arith.constant 0 : index
    %get3A_0 = arith.constant 0 : index
    %get3A_1 = vector.load %arg0[%get3A, %get3A_0] : memref<32x8192xf32, #tpu.memory_space<vmem>>, vector<32x8192xf32>
    %reduce_min3A = arith.constant dense<0x7F800000> : vector<8192xf32>
    %reduce_min3A_2 = vector.multi_reduction <minimumf>, %get3A_1, %reduce_min3A [0] : vector<32x8192xf32> to vector<8192xf32>
    %broadcast_in_dim3A = vector.shape_cast %reduce_min3A_2 : vector<8192xf32> to vector<1x8192xf32>
    %get3A_3 = arith.constant 0 : index
    %get3A_4 = arith.constant 0 : index
    %get3A_5 = vector.load %arg1[%get3A_3, %get3A_4] : memref<1x8192xf32, #tpu.memory_space<vmem>>, vector<1x8192xf32>
    %min3A = arith.minimumf %broadcast_in_dim3A, %get3A_5 : vector<1x8192xf32>
    %max3A = arith.constant 0.000000e+00 : f32
    %max3A_6 = vector.broadcast %max3A : f32 to vector<1x8192xf32>
    %max3A_7 = arith.maximumf %min3A, %max3A_6 : vector<1x8192xf32>
    %reduce_sum3A = vector.shape_cast %max3A_7 : vector<1x8192xf32> to vector<1x1x8192xf32>
    %reduce_sum3A_8 = arith.constant dense<0.000000e+00> : vector<1xf32>
    %reduce_sum3A_9 = vector.multi_reduction <add>, %reduce_sum3A, %reduce_sum3A_8 [1, 2] : vector<1x1x8192xf32> to vector<1xf32>
    %reduce_sum3A_10 = vector.shape_cast %reduce_sum3A_9 : vector<1xf32> to vector<1x1x1xf32>
    %reduce_sum3A_11 = vector.extract %reduce_sum3A_10[0, 0, 0] : f32 from vector<1x1x1xf32>
    %get3A_12 = arith.constant 0 : index
    %get3A_13 = arith.constant 0 : index
    %get3A_14 = vector.load %arg2[%get3A_12, %get3A_13] : memref<2048x16xf32, #tpu.memory_space<vmem>>, vector<2048x16xf32>
    %reduce_min3A_15 = arith.constant dense<0x7F800000> : vector<2048xf32>
    %reduce_min3A_16 = vector.multi_reduction <minimumf>, %get3A_14, %reduce_min3A_15 [1] : vector<2048x16xf32> to vector<2048xf32>
    %get3A_17 = arith.constant 0 : index
    %get3A_18 = arith.constant 0 : index
    %get3A_19 = vector.load %arg3[%get3A_17, %get3A_18] : memref<1x1xf32, #tpu.memory_space<vmem>>, vector<1x1xf32>
    %get3A_20 = vector.extract %get3A_19[0, 0] : f32 from vector<1x1xf32>
    %max3A_21 = arith.constant 0.000000e+00 : f32
    %max3A_22 = vector.broadcast %max3A_21 : f32 to vector<2048xf32>
    %max3A_23 = arith.maximumf %reduce_min3A_16, %max3A_22 : vector<2048xf32>
    %reduce_sum3A_24 = vector.shape_cast %max3A_23 : vector<2048xf32> to vector<1x2048xf32>
    %reduce_sum3A_25 = arith.constant dense<0.000000e+00> : vector<1xf32>
    %reduce_sum3A_26 = vector.multi_reduction <add>, %reduce_sum3A_24, %reduce_sum3A_25 [1] : vector<1x2048xf32> to vector<1xf32>
    %reduce_sum3A_27 = vector.shape_cast %reduce_sum3A_26 : vector<1xf32> to vector<1x1xf32>
    %reduce_sum3A_28 = vector.extract %reduce_sum3A_27[0, 0] : f32 from vector<1x1xf32>
    %add3A = arith.addf %get3A_20, %reduce_sum3A_28 : f32
    %add3A_29 = arith.addf %add3A, %reduce_sum3A_11 : f32
    %div3A = arith.constant 8.192000e+03 : f32
    %div3A_30 = arith.divf %add3A_29, %div3A : f32
    %swap3A = arith.constant 0 : index
    %swap3A_31 = arith.constant 0 : index
    %swap3A_32 = memref.load %arg4[%swap3A, %swap3A_31] : memref<1x1xf32, #tpu.memory_space<smem>>
    memref.store %div3A_30, %arg4[%swap3A, %swap3A_31] : memref<1x1xf32, #tpu.memory_space<smem>>
    return
  }
}

</mosaic_0001>

<sc_bundles>
// kernel: kernel.5.cloned.1.call-start
scs
__scs_entry_jumppad:
0x0: {  	(pc) =	sbr.rel $0x88, $3  }
0x1: {  	(tag) =	ssettag $0x0;
	lr =	simm.s32 $0x1  }
0x2: {  	[smem:$0x3F9F] =	sst lr;
	_ =	strace $0xD0000000  }
0x3: {  	_ = 	snop  }
0x4: {  	_ = 	snop  }
0x5: {  	_ = 	snop  }
0x6: {  	_ = 	snop  }
0x7: {  	_ = 	snop  }
__scs_overlays_trampoline_lowered:
0x8: {  	[smem:$0x3FAE] =	sst s0  }
0x9: {  	[smem:$0x3FAF] =	sst s1  }
0xa: {  	[smem:$0x3FB0] =	sst s2  }
0xb: {  	[smem:$0x3FB1] =	sst s3  }
0xc: {  	[smem:$0x3FB2] =	sst s4  }
0xd: {  	[smem:$0x3FB3] =	sst s5  }
0xe: {  	[smem:$0x3FB4] =	sst s6  }
0xf: {  	[smem:$0x3FB5] =	sst s7  }
0x10: {  	[smem:$0x3FB6] =	sst s8  }
0x11: {  	[smem:$0x3FB7] =	sst s9;
	s0 =	simm.s32 @!p0 $0x0  }
0x12: {  	s1 =	sld [smem:$0x3F9D];
	s0 =	simm.s32 @p0 $0x1  }
0x13: {  	[smem:$0x3FB8] =	sst s0;
	s0 =	simm.s32 @!p1 $0x0  }
0x14: {  	s2 =	sld [smem:$0x3F9C];
	s0 =	simm.s32 @p1 $0x1  }
0x15: {  	[smem:$0x3FB9] =	sst s0;
	s0 =	simm.s32 @!p2 $0x0  }
0x16: {  	s3 =	sld [smem:$0x3FDB];
	s0 =	simm.s32 @p2 $0x1  }
0x17: {  	s4 =	simm.s32 $0x1BF5;
	[smem:$0x3FBB] =	sst s0  }
0x18: {  	s0 =	sld [smem:$0x3F9E];
	_ =	swait.ge [sflag:s4], $0x0  }
0x19: {  	s7 =	sld [smem:$0x3F9F]  }
0x1a: {  	s8 =	sadd.s32 $0xFFFFE003, lr  }
0x1b: {  	s9 =	sadd.s32 $0xFFFFFEF7, lr;
	s5 =	simm.s32 $0xFFFFFFFF;
	p2 =	slt.u32 s8, $0xFFFFF086  }
0x1c: {  	p1 =	slt.u32 s9, $0xF7A;
	s5 =	simm.s32 @!p2 $0x0  }
0x1d: {  	s5 =	simm.s32 @p1 $0x1;
	p0 =	seq.s32 s7, s2  }
0x1e: {  	s7 =	smul.u32 @!p0 $0xF7A, s2;
	p2 =	seq.s32 @!p0 s5, $0x0  }
0x1f: {  	s9 =	smul.u32 $0xF7A, s1;
	s8 =	simm.s32 @!p0 $0x1BF5;
	p2 =	por !p2, p0  }
0x20: {  	[sflag:s8] =	ssyncset.s32 @!p0 $0xFFFFF086;
	s6 =	sadd.s32 @!p0 s3, s7;
	s7 =	simm.s32 @!p0 $0x108  }
0x21: {  	s3 =	sadd.s32 s3, s9;
	s6 =	sadd.s32 @!p0 $0x88, s6;
	s7 =	simm.s32 @p2 $0x1082  }
0x22: {  	[simem:s7], [sflag:s8] =	dma.local @!p0 [hbm:s6], $0xF7A  }
0x23: {  	s9 =	sor.u32 $0xD0000000, s2;
	s6 =	simm.s32 $0x108;
	_ =	swait.ge @!p0 [sflag:s8], $0x0  }
0x24: {  	s3 =	sadd.s32 $0x88, s3;
	s6 =	simm.s32 @!p1 $0x1082;
	[sflag:s4] =	ssyncset.s32 $0xFFFFF086  }
0x25: {  	[simem:s6], [sflag:s4] =	dma.local [hbm:s3], $0xF7A  }
0x26: {  	[smem:$0x3F9F] =	sst s1;
	(tag) =	ssettag s2;
	_ =	strace s9  }
0x27: {  	s1 =	sld [smem:$0x3FAF]  }
0x28: {  	s2 =	sld [smem:$0x3FB0]  }
0x29: {  	s4 =	sld [smem:$0x3FB2]  }
0x2a: {  	p0 =	seq.s32 s5, $0x0;
	s5 =	sld [smem:$0x3FB3]  }
0x2b: {  	s6 =	sld [smem:$0x3FB4]  }
0x2c: {  	s7 =	sld [smem:$0x3FB5]  }
0x2d: {  	s3 =	simm.s32 $0x108;
	s8 =	sld [smem:$0x3FB6]  }
0x2e: {  	s3 =	simm.s32 @!p0 $0x1082;
	s9 =	sld [smem:$0x3FB7]  }
0x2f: {  	lr =	sadd.s32 s0, s3;
	s0 =	sld [smem:$0x3FAE]  }
0x30: {  	s3 =	sld [smem:$0x3FB1]  }
0x31: {  	[smem:$0x3FBA] =	sst s10  }
0x32: {  	s10 =	sld [smem:$0x3FB8];
	_ =	sdelay $0x3  }
0x33: {  	p0 =	seq.s32 s10, $0x1;
	s10 =	sld [smem:$0x3FBA];
	_ =	sdelay $0x3  }
0x34: {  	[smem:$0x3FBA] =	sst s10  }
0x35: {  	s10 =	sld [smem:$0x3FB9];
	_ =	sdelay $0x3  }
0x36: {  	p1 =	seq.s32 s10, $0x1;
	s10 =	sld [smem:$0x3FBA];
	_ =	sdelay $0x3  }
0x37: {  	[smem:$0x3FBA] =	sst s10  }
0x38: {  	s10 =	sld [smem:$0x3FBB]  }
0x39: {  	_ = 	snop;
	(pc) =	sbr.ind lr, $3  }
0x3a: {  	_ = 	snop  }
0x3b: {  	_ = 	snop  }
0x3c: {  	p2 =	seq.s32 s10, $0x1;
	s10 =	sld [smem:$0x3FBA]  }
0x3d: {  	_ =	shalt  }
0x3e: {  	_ =	shalt  }
0x3f: {  	_ =	shalt  }
0x40: {  	_ =	shalt  }
0x41: {  	_ =	shalt  }
0x42: {  	_ =	shalt  }
0x43: {  	_ =	shalt  }
0x44: {  	_ =	shalt  }
0x45: {  	_ =	shalt  }
0x46: {  	_ =	shalt  }
0x47: {  	_ =	shalt  }
0x48: {  	_ =	shalt  }
0x49: {  	_ =	shalt  }
0x4a: {  	_ =	shalt  }
0x4b: {  	_ =	shalt  }
0x4c: {  	_ =	shalt  }
0x4d: {  	_ =	shalt  }
0x4e: {  	_ =	shalt  }
0x4f: {  	_ =	shalt  }
0x50: {  	_ =	shalt  }
0x51: {  	_ =	shalt  }
0x52: {  	_ =	shalt  }
0x53: {  	_ =	shalt  }
0x54: {  	_ =	shalt  }
0x55: {  	_ =	shalt  }
0x56: {  	_ =	shalt  }
0x57: {  	_ =	shalt  }
0x58: {  	_ =	shalt  }
0x59: {  	_ =	shalt  }
0x5a: {  	_ =	shalt  }
0x5b: {  	_ =	shalt  }
0x5c: {  	_ =	shalt  }
0x5d: {  	_ =	shalt  }
0x5e: {  	_ =	shalt  }
0x5f: {  	_ =	shalt  }
0x60: {  	_ =	shalt  }
0x61: {  	_ =	shalt  }
0x62: {  	_ =	shalt  }
0x63: {  	_ =	shalt  }
0x64: {  	_ =	shalt  }
0x65: {  	_ =	shalt  }
0x66: {  	_ =	shalt  }
0x67: {  	_ =	shalt  }
0x68: {  	_ =	shalt  }
0x69: {  	_ =	shalt  }
0x6a: {  	_ =	shalt  }
0x6b: {  	_ =	shalt  }
0x6c: {  	_ =	shalt  }
0x6d: {  	_ =	shalt  }
0x6e: {  	_ =	shalt  }
0x6f: {  	_ =	shalt  }
0x70: {  	_ =	shalt  }
0x71: {  	_ =	shalt  }
0x72: {  	_ =	shalt  }
0x73: {  	_ =	shalt  }
0x74: {  	_ =	shalt  }
0x75: {  	_ =	shalt  }
0x76: {  	_ =	shalt  }
0x77: {  	_ =	shalt  }
0x78: {  	_ =	shalt  }
0x79: {  	_ =	shalt  }
0x7a: {  	_ =	shalt  }
0x7b: {  	_ =	shalt  }
0x7c: {  	_ =	shalt  }
0x7d: {  	_ =	shalt  }
0x7e: {  	_ =	shalt  }
0x7f: {  	_ =	shalt  }
0x80: {  	_ =	shalt  }
0x81: {  	_ =	shalt  }
0x82: {  	_ =	shalt  }
0x83: {  	_ =	shalt  }
0x84: {  	_ =	shalt  }
0x85: {  	_ =	shalt  }
0x86: {  	_ =	shalt  }
0x87: {  	_ =	shalt  }
.Lfunc_end0:
.L_simem_size_0:
called_computation_lowered:
.L_overlay_start_0:
0x88: {  	s2 =	sld [smem:$0x3FD9]  }
0x89: {  	s3 =	sld [smem:$0x3FFE];
	_ =	sdelay $0x1  }
0x8a: {  	s1 =	srdreg.scid  }
0x8b: {  	s0 =	sand.u32 $0x1, s1  }
0x8c: {  	s16 =	sshll.u32 s0, $0xA;
	s2 =	sadd.s32 s3, s2  }
0x8d: {  	s2 =	sadd.s32 s2, s16  }
0x8e: {  	[smem:$0x3FC6] =	sst s2  }
0x8f: {  	_ = 	snop  }
0x90: {  	(tm) =	ssettm $0x1  }
0x91: {  	s17 =	sld [smem:$0x3FFB];
	_ =	sdelay $0x3  }
0x92: {  	_ =	strace s17  }
0x93: {  	s2 =	sld [smem:$0x3FFC];
	_ =	sdelay $0x3  }
0x94: {  	_ =	strace s2  }
0x95: {  	s2 =	sld [smem:$0x3FFD];
	_ =	sdelay $0x3  }
0x96: {  	_ =	strace s2  }
0x97: {  	_ =	strace $0x8FFFFFFF  }
0x98: {  	s18 =	sld [smem:$0x3FDB];
	_ =	sdelay $0x1  }
0x99: {  	s19 =	simm.s32 $_scs_section_size  }
0x9a: {  	s4 =	simm.s32 $_size__tile_overlayer_lowered;
	s5 =	simm.s32 $_tile_overlayer_lowered  }
0x9b: {  	s22 =	simm.s32 $0x1BFF;
	s21 =	sshll.u32 s5, $0x1;
	s2 =	sadd.s32 s19, s18  }
0x9c: {  	s6 =	simm.s32 $0x0;
	s20 =	sshll.u32 s4, $0x1;
	s4 =	sadd.s32 s21, s2  }
0x9d: {  	[timem:s6], [sflag:s22] =	dma.local [hbm:s4], s20  }
0x9e: {  	_ =	swait.ge [sflag:s22], s20  }
0x9f: {  	s3 =	ssub.s32 $0x0, s20;
	[sflag:s22] =	ssyncset.done $0x0  }
0xa0: {  	[sflag:s22] =	ssyncadd.s32 s3;
	_ =	sdelay $0x1  }
0xa1: {  	s23 =	simm.s32 $0x1B8B  }
0xa2: {  	_ =	swait.ge [sflag:s23], $0x1  }
0xa3: {  	[sflag:s23] =	ssyncset.done $0x0  }
0xa4: {  	s25 =	simm.s32 $0x1B8E;
	s24 =	sld [smem:$0x3FFE];
	[sflag:s23] =	ssyncadd.s32 $0xFFFFFFFF  }
0xa5: {  	s26 =	simm.s32 $execute0_lowered;
	[smem:$0x3FD2] =	sst s25  }
0xa6: {  	s4 =	sshll.u32 s26, $0x1;
	_ =	strace $0x80000046;
	[dreg:$0x1] =	wrdreg $0xFFFFFFFF  }
0xa7: {  	s28 =	simm.s32 $_size_execute0_lowered;
	s2 =	sadd.s32 s2, s4;
	[dreg:$0x0] =	wrdreg $0x0  }
0xa8: {  	s4 =	sshll.u32 s28, $0x1;
	[dreg:$0x2] =	wrdreg s2  }
0xa9: {  	[dreg:$0x3] =	wrdreg s4  }
0xaa: {  	[dreg:$0x4] =	wrdreg $0xC0  }
0xab: {  	_ =	task [dreg:s6], $0x5FFFF  }
0xac: {  	[dreg:$0x1] =	wrdreg $0xFFFFFFFF  }
0xad: {  	[dreg:$0x0] =	wrdreg $0x60  }
0xae: {  	[dreg:$0x2] =	wrdreg s24  }
0xaf: {  	[dreg:$0x3] =	wrdreg $0x9  }
0xb0: {  	_ =	task.clear_ibuf [dreg:s6], $0x4FFFF;
	_ =	strace $0x90000046  }
0xb1: {  	s29 =	simm.s32 $0x9;
	_ =	strace $0x80000048  }
0xb2: {  	_ =	swait.ge [sflag:s29], $0x1  }
0xb3: {  	[sflag:s29] =	ssyncadd.s32 $0xFFFFFFFF  }
0xb4: {  	_ =	strace $0x90000048  }
0xb5: {  	_ =	sfence  }
0xb6: {  	s30 =	sld [smem:$0x0];
	_ =	sdelay $0x2  }
0xb7: {  	s31 =	sshll.u32 s1, $0xD;
	s1 =	sshrl.u32 s1, $0x2  }
0xb8: {  	s3 =	sand.u32 $0x4000, s31;
	s1 =	sadd.s32 s1, s30  }
0xb9: {  	s0 =	sor.u32 s3, s0;
	s1 =	sshll.u32 s1, $0x11  }
0xba: {  	s0 =	sor.u32 s1, s0  }
0xbb: {  	s0 =	sadd.s32 $0x8F2B, s0  }
0xbc: {  	[sflag:s0] =	ssyncadd.remote.s32 $0x1  }
0xbd: {  	_ =	sfence.sel $0xFFFF  }
0xbe: {  	[dreg:$0x0] =	wrdreg $0xFFFFFFFF;
	(pc) =	sbr.abs _section_cstart, $3  }
0xbf: {  	[dreg:$0x1] =	wrdreg $0xFFFFFFFF  }
0xc0: {  	_ =	task.clear_ibuf [dreg:s6], $0x2FFFF;
	_ =	strace $0x9FFFFFFF  }
0xc1: {  	(tm) =	ssettm $0x7FFFFFFF  }
tec
execute0_lowered:
.L_overlay_start_1:
0x0: {  	(tag) =	ssettag $0x1  }
0x1: {  	s0 =	rddreg [dreg:$0x0]  }
0x2: {  	s1 =	simm.s32 $0x0;
	s2 =	srdreg.scid;
	s8 =	stileid.u32  }
0x3: {  	s12 =	simm.s32 $0x1;
	s14 =	simm.s32 $0x4000;
	s15 =	simm.s32 $0x6000  }
0x4: {  	s16 =	simm.s32 $0x6400;
	s17 =	simm.s32 $0x6800;
	s18 =	simm.s32 $0x80  }
0x5: {  	s19 =	simm.s32 $0x400;
	s20 =	simm.s32 $0x6C00;
	s21 =	simm.s32 $0x8C00  }
0x6: {  	s22 =	simm.s32 $0x0;
	[smem:$0x7FF] =	sst s1;
	s3 =	sadd.s32 $0x2600, s0  }
0x7: {  	s2 =	sand.u32 $0x1, s2;
	s4 =	sadd.s32 $0x2200, s0;
	s6 =	sshll.u32 s8, $0x8  }
0x8: {  	s5 =	sadd.s32 $0x1E00, s0;
	s28 =	sshrl.u32 s8, $0x2;
	_ =	strace $0x80000047  }
0x9: {  	s7 =	sshll.u32 s2, $0x7;
	s8 =	sshll.u32 s28, $0x10;
	s2 =	ssub.s32 $0x2, s2  }
0xa: {  	s6 =	sor.u32 s7, s6;
	s7 =	sshll.u32 s28, $0xD;
	s31 =	sshrl.u32 s2, $0x1  }
0xb: {  	s9 =	sand.u32 $0x380, s6;
	s10 =	sadd.s32 s6, s0;
	s2 =	ssub.s32 s2, s31  }
0xc: {  	s29 =	sor.u32 s8, s9;
	s7 =	sor.u32 s7, s9;
	s8 =	sadd.s32 $0x2A00, s10  }
0xd: {  	s11 =	smax.u32 s2, $0x1;
	s6 =	sshrl.u32 s29, $0x3;
	s7 =	sshrl.u32 s7, $0x3  }
0xe: {  	s30 =	sadd.s32 s6, s0;
	s0 =	sadd.s32 s7, s0;
	s6 =	sadd.s32 $0x3A00, s10  }
0xf: {  	v0 =	vimm.f32 $+Inf;
	s7 =	sadd.s32 $0x4A00, s10;
	s9 =	sadd.s32 $0x6A00, s30;
	s10 =	sadd.s32 $0x5A00, s0  }
.LBB2_1:
0x10: {  	[tilespmem:s1], [sflag:$0x1] =	stream.linear.gather [hbm4b:s3+s1], $0x2000, $0x38;
	[tilespmem:$0x9000] =	vst v63  }
0x11: {  	_ =	swait.ge [sflag:s12], $0x2000  }
0x12: {  	[sflag:s12] =	ssyncset.done $0x0  }
0x13: {  	s0 =	simm.s32 $0x2000;
	[sflag:s12] =	ssyncadd.s32 $0xFFFFE000  }
0x14: {  	[tilespmem:s0], [sflag:$0x1] =	stream.linear.gather [hbm4b:s4+s1], $0x2000, $0x38;
	[tilespmem:$0x9000] =	vst v63  }
0x15: {  	_ =	swait.ge [sflag:s12], $0x2000  }
0x16: {  	[sflag:s12] =	ssyncset.done $0x0  }
0x17: {  	[sflag:s12] =	ssyncadd.s32 $0xFFFFE000  }
0x18: {  	[tilespmem:s14], [sflag:$0x1] =	stream.linear.gather [hbm4b:s5+s1], $0x2000, $0x38;
	[tilespmem:$0x9000] =	vst v63  }
0x19: {  	_ =	swait.ge [sflag:s12], $0x2000  }
0x1a: {  	[sflag:s12] =	ssyncset.done $0x0  }
0x1b: {  	[sflag:s12] =	ssyncadd.s32 $0xFFFFE000  }
0x1c: {  	[tilespmem:s15], [sflag:$0x1] =	stream.linear.gather [hbm4b:s6+s1], $0x400, $0x38;
	[tilespmem:$0x9000] =	vst v63  }
0x1d: {  	_ =	swait.ge [sflag:s12], $0x400  }
0x1e: {  	[sflag:s12] =	ssyncset.done $0x0  }
0x1f: {  	[sflag:s12] =	ssyncadd.s32 $0xFFFFFC00  }
0x20: {  	[tilespmem:s16], [sflag:$0x1] =	stream.linear.gather [hbm4b:s7+s1], $0x400, $0x38;
	[tilespmem:$0x9000] =	vst v63  }
0x21: {  	_ =	swait.ge [sflag:s12], $0x400  }
0x22: {  	[sflag:s12] =	ssyncset.done $0x0  }
0x23: {  	[sflag:s12] =	ssyncadd.s32 $0xFFFFFC00  }
0x24: {  	[tilespmem:s17], [sflag:$0x1] =	stream.linear.gather [hbm4b:s8+s1], $0x400, $0x38;
	[tilespmem:$0x9000] =	vst v63  }
0x25: {  	_ =	swait.ge [sflag:s12], $0x400  }
0x26: {  	[sflag:s12] =	ssyncset.done $0x0  }
0x27: {  	s0 =	simm.s32 $0x6C20;
	[sflag:s12] =	ssyncadd.s32 $0xFFFFFC00  }
0x28: {  	[tilespmem:s0+$0xFFFFFFE0] =	vst v0  }
0x29: {  	[tilespmem:s0+$0x10] =	vst v0  }
0x2a: {  	s2 =	simm.s32 $0x0;
	[tilespmem:s0+$0x0] =	vst v0  }
.LBB2_2:
0x2b: {  	s2 =	sadd.s32 $0x4, s2  }
0x2c: {  	[tilespmem:s0+$0xFFFFFFF0] =	vst v0;
	s0 =	sadd.s32 $0x40, s0;
	p0 =	slt.u32 s2, $0x1FC  }
.Ltmp0:
0x2d: {  	[tilespmem:s0+$0xFFFFFFE0] =	vst v0;
	(pc) =	sbr.rel @p0 .LBB2_2-.Ltmp0, $3  }
0x2e: {  	_ =	sdelay $0x1  }
0x2f: {  	[tilespmem:s0+$0x10] =	vst v0  }
0x30: {  	[tilespmem:s0+$0x0] =	vst v0  }
0x31: {  	[tilespmem:s0+$0xFFFFFFF0] =	vst v0;
	s23 =	simm.s32 $0x0  }
.LBB2_4:
0x32: {  	s24 =	sshll.u32 s23, $0x6  }
0x33: {  	v1 =	vld [tilespmem:s24+$0x6000]  }
0x34: {  	v2 =	vld [tilespmem:s24+$0x6010]  }
0x35: {  	v3 =	vld [tilespmem:s24+$0x6020]  }
0x36: {  	v4 =	vld [tilespmem:s24+$0x6030]  }
0x37: {  	s0 =	simm.s32 $0x10;
	v5 =	vld [tilespmem:s24+$0x6400]  }
0x38: {  	s2 =	simm.s32 $0x2010;
	v12 =	vld [tilespmem:s0+$0xFFFFFFF0]  }
0x39: {  	v13 =	vld [tilespmem:s2+$0xFFFFFFF0]  }
0x3a: {  	v6 =	vld [tilespmem:s24+$0x6410]  }
0x3b: {  	v7 =	vld [tilespmem:s24+$0x6420]  }
0x3c: {  	s25 =	simm.s32 $0x4010;
	v8 =	vld [tilespmem:s24+$0x6430]  }
0x3d: {  	v14 =	vld [tilespmem:s25+$0xFFFFFFF0]  }
0x3e: {  	v9 =	vld [tilespmem:s24+$0x6800];
	v15 =	vmul.f32 v12, v1;
	v16 =	vmul.f32 v13, v5  }
0x3f: {  	v10 =	vld [tilespmem:s24+$0x6810];
	v17 =	vmul.f32 v12, v2;
	v18 =	vmul.f32 v13, v6  }
0x40: {  	s26 =	simm.s32 $0x6C10;
	v11 =	vld [tilespmem:s24+$0x6820];
	v19 =	vmul.f32 v12, v3;
	v20 =	vmul.f32 v13, v7;
	v15 =	vadd.f32 v16, v15  }
0x41: {  	v13 =	vmul.f32 v13, v8;
	v16 =	vadd.f32 v18, v17;
	v17 =	vld [tilespmem:s26+$0xFFFFFFF0];
	v18 =	vmul.f32 v12, v4  }
0x42: {  	v12 =	vld [tilespmem:s24+$0x6830];
	v19 =	vadd.f32 v20, v19;
	v15 =	vadd.f32 v15, v14  }
0x43: {  	v16 =	vadd.f32 v16, v14;
	v13 =	vadd.f32 v13, v18  }
0x44: {  	v18 =	vadd.f32 v19, v14;
	v19 =	vadd.f32 v15, v9  }
0x45: {  	v20 =	vadd.f32 v16, v10;
	v21 =	vadd.f32 v13, v14  }
0x46: {  	v14 =	vadd.f32 v18, v11;
	v13 =	vmin.f32 v17, v19  }
0x47: {  	v17 =	vadd.f32 v21, v12;
	v13 =	vmin.f32 v13, v20  }
0x48: {  	v13 =	vmin.f32 v13, v14  }
0x49: {  	v13 =	vmin.f32 v13, v17  }
0x4a: {  	[tilespmem:s26+$0xFFFFFFF0] =	vst v13  }
0x4b: {  	v13 =	vld [tilespmem:s0+$0x0]  }
0x4c: {  	v14 =	vld [tilespmem:s2+$0x0];
	_ =	sdelay $0x3  }
0x4d: {  	v17 =	vld [tilespmem:s25+$0x0]  }
0x4e: {  	v26 =	vimm.f32 $+Inf;
	v19 =	vmul.f32 v13, v1;
	v22 =	vmul.f32 v14, v5  }
0x4f: {  	v16 =	vmin.f32 v26, v16;
	v20 =	vmul.f32 v13, v2;
	v23 =	vmul.f32 v14, v6  }
0x50: {  	v24 =	vmul.f32 v13, v3;
	v25 =	vmul.f32 v14, v7;
	v19 =	vadd.f32 v22, v19  }
0x51: {  	v60 =	vld [tilespmem:s26+$0x0];
	v14 =	vmul.f32 v14, v8;
	v13 =	vmul.f32 v13, v4;
	v20 =	vadd.f32 v23, v20  }
0x52: {  	v15 =	vmin.f32 v26, v15;
	v61 =	vadd.f32 v25, v24;
	v19 =	vadd.f32 v19, v17  }
0x53: {  	v18 =	vmin.f32 v26, v18;
	v62 =	vadd.f32 v14, v13;
	v20 =	vadd.f32 v20, v17  }
0x54: {  	v21 =	vmin.f32 v26, v21;
	v23 =	vadd.f32 v61, v17;
	v63 =	vadd.f32 v19, v9  }
0x55: {  	v17 =	vadd.f32 v62, v17;
	v14 =	vmin.f32 v15, v19;
	v15 =	vadd.f32 v20, v10  }
0x56: {  	s31 =	simm.s32 $0x0;
	v13 =	vmin.f32 v18, v23;
	v18 =	vadd.f32 v23, v11;
	v19 =	vmin.f32 v60, v63  }
0x57: {  	s13 =	simm.s32 $0x30;
	s28 =	sor.u32 $0x10, s24;
	s30 =	sor.u32 $0x20, s24;
	v19 =	vmin.f32 v19, v15;
	v15 =	vmin.f32 v21, v17;
	v17 =	vadd.f32 v17, v12  }
0x58: {  	s29 =	sor.u32 $0x30, s24;
	s2 =	simm.s32 $0x2030;
	s0 =	simm.s32 $0x6C10;
	v16 =	vmin.f32 v16, v20;
	v18 =	vmin.f32 v19, v18  }
.LBB2_5:
0x59: {  	s31 =	sadd.s32 $0x2, s31;
	v17 =	vmin.f32 v18, v17;
	s26 =	sadd.s32 $0x20, s26;
	s25 =	sadd.s32 $0x20, s25  }
0x5a: {  	p0 =	slt.u32 s31, $0x1FE;
	[tilespmem:s0+$0x0] =	vst v17;
	s0 =	smov.u32 s26  }
0x5b: {  	v17 =	vld [tilespmem:s13+$0xFFFFFFF0]  }
0x5c: {  	v18 =	vld [tilespmem:s2+$0xFFFFFFF0];
	_ =	sdelay $0x3  }
0x5d: {  	v19 =	vld [tilespmem:s25+$0xFFFFFFF0];
	v20 =	vmul.f32 v17, v1;
	v21 =	vmul.f32 v17, v2  }
0x5e: {  	v22 =	vmul.f32 v18, v5;
	v23 =	vmul.f32 v18, v6  }
0x5f: {  	v24 =	vmul.f32 v17, v3;
	v25 =	vmul.f32 v18, v7  }
0x60: {  	v18 =	vmul.f32 v18, v8;
	v20 =	vadd.f32 v22, v20;
	v21 =	vadd.f32 v23, v21  }
0x61: {  	v17 =	vmul.f32 v17, v4;
	v23 =	vadd.f32 v25, v24;
	v22 =	vld [tilespmem:s26+$0xFFFFFFF0]  }
0x62: {  	v20 =	vadd.f32 v20, v19;
	v21 =	vadd.f32 v21, v19  }
0x63: {  	v17 =	vadd.f32 v18, v17;
	v23 =	vadd.f32 v23, v19  }
0x64: {  	v18 =	vadd.f32 v20, v9;
	v24 =	vadd.f32 v21, v10  }
0x65: {  	v17 =	vadd.f32 v17, v19  }
0x66: {  	v19 =	vadd.f32 v23, v11;
	v18 =	vmin.f32 v22, v18  }
0x67: {  	v22 =	vadd.f32 v17, v12;
	v18 =	vmin.f32 v18, v24  }
0x68: {  	v18 =	vmin.f32 v18, v19  }
0x69: {  	v18 =	vmin.f32 v18, v22  }
0x6a: {  	[tilespmem:s26+$0xFFFFFFF0] =	vst v18  }
0x6b: {  	v18 =	vld [tilespmem:s13+$0x0]  }
0x6c: {  	v19 =	vld [tilespmem:s2+$0x0];
	_ =	sdelay $0x3  }
0x6d: {  	v22 =	vld [tilespmem:s25+$0x0];
	v24 =	vmul.f32 v18, v1;
	v25 =	vmul.f32 v18, v2  }
0x6e: {  	v26 =	vmul.f32 v19, v5;
	v27 =	vmul.f32 v19, v6  }
0x6f: {  	v28 =	vmul.f32 v18, v3;
	v29 =	vmul.f32 v19, v7  }
0x70: {  	v19 =	vmul.f32 v19, v8;
	v24 =	vadd.f32 v26, v24;
	v25 =	vadd.f32 v27, v25  }
0x71: {  	v16 =	vmin.f32 v16, v21;
	v18 =	vmul.f32 v18, v4;
	v26 =	vadd.f32 v29, v28;
	v21 =	vld [tilespmem:s26+$0x0]  }
0x72: {  	v14 =	vmin.f32 v14, v20;
	v20 =	vadd.f32 v24, v22;
	v24 =	vadd.f32 v25, v22  }
0x73: {  	v13 =	vmin.f32 v13, v23;
	v18 =	vadd.f32 v19, v18;
	v23 =	vadd.f32 v26, v22  }
.Ltmp1:
0x74: {  	v14 =	vmin.f32 v14, v20;
	v19 =	vadd.f32 v20, v9;
	v20 =	vadd.f32 v24, v10;
	(pc) =	sbr.rel @p0 .LBB2_5-.Ltmp1, $4  }
0x75: {  	v18 =	vadd.f32 v18, v22;
	v13 =	vmin.f32 v13, v23;
	v23 =	vadd.f32 v23, v11  }
0x76: {  	v15 =	vmin.f32 v15, v17;
	v16 =	vmin.f32 v16, v24;
	v17 =	vmin.f32 v21, v19  }
0x77: {  	v15 =	vmin.f32 v15, v18;
	v19 =	vmin.f32 v17, v20;
	v17 =	vadd.f32 v18, v12  }
0x78: {  	s13 =	sadd.s32 $0x20, s13;
	s2 =	sadd.s32 $0x20, s2;
	v18 =	vmin.f32 v19, v23  }
0x79: {  	s23 =	sadd.s32 $0x1, s23  }
0x7a: {  	v1 =	vmin.f32 v18, v17;
	v2 =	vadd.f32 v14, v9;
	p0 =	sne.s32 s23, $0x10  }
.Ltmp2:
0x7b: {  	[tilespmem:s0+$0x0] =	vst v1;
	v1 =	vadd.f32 v16, v10;
	(pc) =	sbr.rel @p0 .LBB2_4-.Ltmp2, $4  }
0x7c: {  	[tilespmem:s24+$0x8C00] =	vst v2;
	v2 =	vadd.f32 v13, v11  }
0x7d: {  	[tilespmem:s28+$0x8C00] =	vst v1;
	v1 =	vadd.f32 v15, v12  }
0x7e: {  	[tilespmem:s30+$0x8C00] =	vst v2  }
0x7f: {  	[tilespmem:s29+$0x8C00] =	vst v1  }
0x80: {  	[hbm4b:s9+s18] =	stream.strided.scatter [tilespmem:s20], [sflag:$0x1], $0x2000, s19, s18, $0x38;
	[tilespmem:$0x9000] =	vst v63  }
0x81: {  	s22 =	sadd.s32 $0x1, s22;
	_ =	swait.ge [sflag:s12], $0x2000  }
0x82: {  	p0 =	sne.s32 s22, s11;
	[sflag:s12] =	ssyncset.done $0x0  }
.Ltmp3:
0x83: {  	[sflag:s12] =	ssyncadd.s32 $0xFFFFE000;
	(pc) =	sbr.rel @p0 .LBB2_1-.Ltmp3, $4  }
0x84: {  	[hbm4b:s10+s18] =	stream.strided.scatter [tilespmem:s21], [sflag:$0x1], $0x400, s19, s18, $0x38;
	[tilespmem:$0x9000] =	vst v63  }
0x85: {  	_ =	swait.ge [sflag:s12], $0x400  }
0x86: {  	[sflag:s12] =	ssyncset.done $0x0  }
0x87: {  	[sflag:s12] =	ssyncadd.s32 $0xFFFFFC00  }
0x88: {  	_ =	sfence.sel $0x180000  }
0x89: {  	[bflag:$0x0] =	sbarrier.arrive $0xFFFF  }
0x8a: {  	_ =	strace $0x90000047  }
0x8b: {  	s0 =	stileid.u32;
	[bflag:$0x2] =	sbarrier.arrive $0xFFFF  }
0x8c: {  	p0 =	sne.s32 s0, $0x0;
	s0 =	rddreg [dreg:$0x1]  }
0x8d: {  	s0 =	sadd.s32 @!p0 $0x100000, s0  }
0x8e: {  	[sflag:s0] =	ssyncadd.tile.s32 @!p0 $0x1;
	_ =	shalt  }
.Lfunc_end2:
_tile_overlayer_lowered:
.L_overlay_start_2:
0x8f: {  	(tag) =	ssettag $0x2  }
0x90: {  	s0 =	rddreg [dreg:$0x0];
	s2 =	stileid.u32  }
0x91: {  	s1 =	rddreg [dreg:$0x1];
	p0 =	sne.s32 s2, $0x0  }
0x92: {  	s3 =	rddreg [dreg:$0x2];
	[bflag:$0x3] =	sbarrier.arrive $0xFFFF;
	s2 =	simm.s32 @!p0 $0x1C01  }
0x93: {  	[timem:s3], [sflag:s2] =	dma.local @!p0 [hbm:s0], s1  }
0x94: {  	s0 =	simm.s32 @!p0 $0x1  }
0x95: {  	_ =	swait.ge @!p0 [sflag:s0], s1  }
0x96: {  	s1 =	ssub.s32 @!p0 $0x0, s1;
	[sflag:s0] =	ssyncset.done @!p0 $0x0  }
0x97: {  	[sflag:s0] =	ssyncadd.s32 @!p0 s1  }
0x98: {  	[bflag:$0x3] =	sbarrier.arrive $0xFFFF  }
0x99: {  	_ =	shalt  }

</sc_bundles>
